<compile_context>
chip_gen: v7x
topology: tpu7x:2x2x1
jax: 0.10.2.dev20260603
libtpu: 0.0.44.dev20260713+nightly
codegen_flags: <defaults>
</compile_context>

<pallas_src>
import functools

import jax
import jax.numpy as jnp
from jax import lax
from jax.experimental import pallas as pl
from jax.experimental.pallas import tpu as pltpu
from jax.experimental.pallas import tpu_sc as plsc

_NUM_LABELS = 1000
_EMBED = 64
_NC = 2
_NS = 16
_NW = _NC * _NS


def _make_gather(B, S):
    n_idx = B * S
    assert n_idx % _NW == 0 and B % _NW == 0
    per_w = n_idx // _NW
    assert per_w % 8 == 0
    b_per_w = B // _NW
    mesh = plsc.VectorSubcoreMesh(
        core_axis_name="c", subcore_axis_name="s",
        num_cores=_NC, num_subcores=_NS,
    )

    @functools.partial(
        pl.kernel,
        out_type=jax.ShapeDtypeStruct((B, S, _EMBED), jnp.float32),
        mesh=mesh,
        scratch_types=[
            pltpu.VMEM((per_w,), jnp.int32),
            pltpu.VMEM((per_w, _EMBED), jnp.float32),
            pltpu.SemaphoreType.DMA,
            pltpu.SemaphoreType.DMA,
        ],
        compiler_params=pltpu.CompilerParams(use_tc_tiling_on_sc=False),
    )
    def gather(table_hbm, idx_hbm, out_hbm, idx_v, rows_v, gsem, wsem):
        wid = lax.axis_index("s") * _NC + lax.axis_index("c")
        pltpu.sync_copy(idx_hbm.at[pl.ds(wid * per_w, per_w)], idx_v)
        pltpu.async_copy(table_hbm.at[idx_v], rows_v, gsem).wait()
        writes = [
            pltpu.async_copy(
                rows_v.at[pl.ds(p * S, S)],
                out_hbm.at[wid * b_per_w + p],
                wsem,
            )
            for p in range(b_per_w)
        ]
        for cp in writes:
            cp.wait()

    return gather


def _table_body(wt_ref, b_ref, out_ref):
    out_ref[...] = wt_ref[...] + b_ref[...]


def kernel(X, W, b):
    B, S, _ = X.shape
    table = pl.pallas_call(
        _table_body,
        out_shape=jax.ShapeDtypeStruct((_NUM_LABELS, _EMBED), jnp.float32),
    )(W.T, b.reshape(1, _EMBED))
    idx = X.reshape(B * S).astype(jnp.int32)
    return _make_gather(B, S)(table, idx)

# --- scband reference (transcript-rebuilt; emitter-appended) ---
"""Pipeline reference for scband-one-hot-proj-embedding-21062519619650 (READ-ONLY COPY).

The authoritative reference and input builder live on the scoring server;
editing this copy changes nothing except your own understanding.
"""

import jax, jax.numpy as jnp
import numpy as np

NUM_LABELS = 1000
EMBED_SIZE = 64

def setup_inputs(seed: int = 0) -> dict:
    key = jax.random.key(seed)
    k1, k2, k3 = jax.random.split(key, 3)
    X = jax.random.randint(k1, (1024, 20, 1), 0, NUM_LABELS, dtype=jnp.int64) if jax.config.jax_enable_x64 else jax.random.randint(k1, (1024, 20, 1), 0, NUM_LABELS).astype(jnp.int32)
    # nn.Linear(num_labels, embedding_size): weight [out, in], bias [out]
    bound = 1.0 / np.sqrt(NUM_LABELS)
    W = jax.random.uniform(k2, (EMBED_SIZE, NUM_LABELS), dtype=jnp.float32, minval=-bound, maxval=bound)
    b = jax.random.uniform(k3, (EMBED_SIZE,), dtype=jnp.float32, minval=-bound, maxval=bound)
    return {"X": X, "W": W, "b": b}

def reference(X, W, b):
    # Faithful translation of OneHotProjEmbedding.forward
    assert X.ndim == 3 and X.shape[-1] == 1
    Xs = jnp.squeeze(X, axis=-1)
    oh = jax.nn.one_hot(Xs, NUM_LABELS, dtype=jnp.float32)
    # F.linear: oh @ W.T + b
    return jnp.matmul(oh, W.T) + b

if __name__ == "__main__":
    import jax
    _d = setup_inputs()
    print(jax.jit(kernel)(*tuple(_d.values())))

</pallas_src>

<mosaic_0001>
#map = affine_map<(d0, d1) -> (0, 0)>
#map1 = affine_map<(d0, d1) -> (0)>
#map2 = affine_map<(d0, d1) -> (0, 0, 0)>
module attributes {stable_mosaic.version = 14 : i64} {
  func.func @gather(%arg0: i32, %arg1: i32, %arg2: memref<1000x64xf32, #tpu.memory_space<hbm>>, %arg3: memref<20480xi32, #tpu.memory_space<hbm>>, %arg4: memref<1024x20x64xf32, #tpu.memory_space<hbm>>, %arg5: memref<640xi32, #tpu.memory_space<vmem>>, %arg6: memref<640x64xf32, #tpu.memory_space<vmem>>, %arg7: memref<!tpu.dma_semaphore, #tpu.memory_space<semaphore_mem>>, %arg8: memref<!tpu.dma_semaphore, #tpu.memory_space<semaphore_mem>>) attributes {dimension_semantics = [#tpu.dimension_semantics<core_parallel>, #tpu.dimension_semantics<subcore_parallel>], iteration_bounds = array<i64: 2, 16>, scalar_prefetch = 0 : i64, scratch_operands = 4 : i64, tpu.core_type = #tpu.core_type<sc_vector_subcore>, window_params = [{transform_indices = #map}, {transform_indices = #map1}, {transform_indices = #map2}]} {
    %mul3A = arith.constant 2 : i32
    %mul3A_0 = arith.muli %arg1, %mul3A : i32
    %add3A = arith.addi %mul3A_0, %arg0 : i32
    %mul3A_1 = arith.constant 640 : i32
    %mul3A_2 = arith.muli %add3A, %mul3A_1 : i32
    "tpu.region"() ({
      %run_scoped3A = tpu.sem_alloc : memref<!tpu.dma_semaphore, #tpu.memory_space<semaphore_mem>>
      %dma_start3A_1031 = tpu.memref_slice %arg3[%mul3A_2] : memref<20480xi32, #tpu.memory_space<hbm>> -> memref<640xi32, #tpu.memory_space<hbm>>
      %dma_start3A_1032 = tpu.memref_slice %arg3[%mul3A_2] : memref<20480xi32, #tpu.memory_space<hbm>> -> memref<640xi32, #tpu.memory_space<hbm>>
      tpu.enqueue_dma source(%dma_start3A_1032 : memref<640xi32, #tpu.memory_space<hbm>>) target(%arg5 : memref<640xi32, #tpu.memory_space<vmem>>) target_semaphore(%run_scoped3A : memref<!tpu.dma_semaphore, #tpu.memory_space<semaphore_mem>>)
      %dma_wait3A_1033 = tpu.memref_slice %arg3[%mul3A_2] : memref<20480xi32, #tpu.memory_space<hbm>> -> memref<640xi32, #tpu.memory_space<hbm>>
      %dma_wait3A_1034 = tpu.memref_slice %arg3[%mul3A_2] : memref<20480xi32, #tpu.memory_space<hbm>> -> memref<640xi32, #tpu.memory_space<hbm>>
      tpu.wait_dma2 semaphore(%run_scoped3A : memref<!tpu.dma_semaphore, #tpu.memory_space<semaphore_mem>>) src(%dma_wait3A_1034 : memref<640xi32, #tpu.memory_space<hbm>>) dst(%arg5 : memref<640xi32, #tpu.memory_space<vmem>>)
      tpu.yield
    }) : () -> ()
    %dma_start3A = arith.constant 0 : i32
    %dma_start3A_3 = arith.constant 0 : i32
    %dma_start3A_4 = tpu.memref_slice %arg2[%dma_start3A, %dma_start3A_3] : memref<1000x64xf32, #tpu.memory_space<hbm>> -> memref<1000x64xf32, #tpu.memory_space<hbm>>
    tpu.enqueue_indirect_dma source(%dma_start3A_4 : memref<1000x64xf32, #tpu.memory_space<hbm>>) target(%arg6 : memref<640x64xf32, #tpu.memory_space<vmem>>) offsets(%arg5 : memref<640xi32, #tpu.memory_space<vmem>>) semaphore(%arg7 : memref<!tpu.dma_semaphore, #tpu.memory_space<semaphore_mem>>)
    %dma_wait3A = arith.constant 0 : i32
    %dma_wait3A_5 = arith.constant 0 : i32
    %dma_wait3A_6 = tpu.memref_slice %arg2[%dma_wait3A, %dma_wait3A_5] : memref<1000x64xf32, #tpu.memory_space<hbm>> -> memref<1000x64xf32, #tpu.memory_space<hbm>>
    tpu.wait_indirect_dma semaphore(%arg7 : memref<!tpu.dma_semaphore, #tpu.memory_space<semaphore_mem>>) src(%dma_wait3A_6 : memref<1000x64xf32, #tpu.memory_space<hbm>>) dst(%arg6 : memref<640x64xf32, #tpu.memory_space<vmem>>)
    %mul3A_7 = arith.constant 32 : i32
    %mul3A_8 = arith.muli %add3A, %mul3A_7 : i32
    %add3A_9 = arith.constant 0 : i32
    %add3A_10 = arith.addi %mul3A_8, %add3A_9 : i32
    %dma_start3A_11 = arith.constant 0 : i32
    %dma_start3A_12 = arith.constant 0 : i32
    %dma_start3A_13 = tpu.memref_slice %arg6[%dma_start3A_11, %dma_start3A_12] : memref<640x64xf32, #tpu.memory_space<vmem>> -> memref<20x64xf32, #tpu.memory_space<vmem>>
    %dma_start3A_14 = arith.constant 0 : i32
    %dma_start3A_15 = arith.constant 0 : i32
    %dma_start3A_16 = tpu.memref_slice %arg4[%add3A_10, %dma_start3A_14, %dma_start3A_15] : memref<1024x20x64xf32, #tpu.memory_space<hbm>> -> memref<1x20x64xf32, #tpu.memory_space<hbm>>
    %dma_start3A_17 = tpu.memref_squeeze %dma_start3A_16 : memref<1x20x64xf32, #tpu.memory_space<hbm>> -> memref<20x64xf32, #tpu.memory_space<hbm>>
    %dma_start3A_18 = arith.constant 0 : i32
    %dma_start3A_19 = arith.constant 0 : i32
    %dma_start3A_20 = tpu.memref_slice %arg4[%add3A_10, %dma_start3A_18, %dma_start3A_19] : memref<1024x20x64xf32, #tpu.memory_space<hbm>> -> memref<1x20x64xf32, #tpu.memory_space<hbm>>
    %dma_start3A_21 = tpu.memref_squeeze %dma_start3A_20 : memref<1x20x64xf32, #tpu.memory_space<hbm>> -> memref<20x64xf32, #tpu.memory_space<hbm>>
    %dma_start3A_22 = arith.constant 0 : i32
    %dma_start3A_23 = arith.constant 0 : i32
    %dma_start3A_24 = tpu.memref_slice %arg6[%dma_start3A_22, %dma_start3A_23] : memref<640x64xf32, #tpu.memory_space<vmem>> -> memref<20x64xf32, #tpu.memory_space<vmem>>
    tpu.enqueue_dma source(%dma_start3A_24 : memref<20x64xf32, #tpu.memory_space<vmem>>) target(%dma_start3A_21 : memref<20x64xf32, #tpu.memory_space<hbm>>) target_semaphore(%arg8 : memref<!tpu.dma_semaphore, #tpu.memory_space<semaphore_mem>>)
    %mul3A_25 = arith.constant 32 : i32
    %mul3A_26 = arith.muli %add3A, %mul3A_25 : i32
    %add3A_27 = arith.constant 1 : i32
    %add3A_28 = arith.addi %mul3A_26, %add3A_27 : i32
    %dma_start3A_29 = arith.constant 20 : i32
    %dma_start3A_30 = arith.constant 0 : i32
    %dma_start3A_31 = tpu.memref_slice %arg6[%dma_start3A_29, %dma_start3A_30] : memref<640x64xf32, #tpu.memory_space<vmem>> -> memref<20x64xf32, #tpu.memory_space<vmem>>
    %dma_start3A_32 = arith.constant 0 : i32
    %dma_start3A_33 = arith.constant 0 : i32
    %dma_start3A_34 = tpu.memref_slice %arg4[%add3A_28, %dma_start3A_32, %dma_start3A_33] : memref<1024x20x64xf32, #tpu.memory_space<hbm>> -> memref<1x20x64xf32, #tpu.memory_space<hbm>>
    %dma_start3A_35 = tpu.memref_squeeze %dma_start3A_34 : memref<1x20x64xf32, #tpu.memory_space<hbm>> -> memref<20x64xf32, #tpu.memory_space<hbm>>
    %dma_start3A_36 = arith.constant 0 : i32
    %dma_start3A_37 = arith.constant 0 : i32
    %dma_start3A_38 = tpu.memref_slice %arg4[%add3A_28, %dma_start3A_36, %dma_start3A_37] : memref<1024x20x64xf32, #tpu.memory_space<hbm>> -> memref<1x20x64xf32, #tpu.memory_space<hbm>>
    %dma_start3A_39 = tpu.memref_squeeze %dma_start3A_38 : memref<1x20x64xf32, #tpu.memory_space<hbm>> -> memref<20x64xf32, #tpu.memory_space<hbm>>
    %dma_start3A_40 = arith.constant 20 : i32
    %dma_start3A_41 = arith.constant 0 : i32
    %dma_start3A_42 = tpu.memref_slice %arg6[%dma_start3A_40, %dma_start3A_41] : memref<640x64xf32, #tpu.memory_space<vmem>> -> memref<20x64xf32, #tpu.memory_space<vmem>>
    tpu.enqueue_dma source(%dma_start3A_42 : memref<20x64xf32, #tpu.memory_space<vmem>>) target(%dma_start3A_39 : memref<20x64xf32, #tpu.memory_space<hbm>>) target_semaphore(%arg8 : memref<!tpu.dma_semaphore, #tpu.memory_space<semaphore_mem>>)
    %mul3A_43 = arith.constant 32 : i32
    %mul3A_44 = arith.muli %add3A, %mul3A_43 : i32
    %add3A_45 = arith.constant 2 : i32
    %add3A_46 = arith.addi %mul3A_44, %add3A_45 : i32
    %dma_start3A_47 = arith.constant 40 : i32
    %dma_start3A_48 = arith.constant 0 : i32
    %dma_start3A_49 = tpu.memref_slice %arg6[%dma_start3A_47, %dma_start3A_48] : memref<640x64xf32, #tpu.memory_space<vmem>> -> memref<20x64xf32, #tpu.memory_space<vmem>>
    %dma_start3A_50 = arith.constant 0 : i32
    %dma_start3A_51 = arith.constant 0 : i32
    %dma_start3A_52 = tpu.memref_slice %arg4[%add3A_46, %dma_start3A_50, %dma_start3A_51] : memref<1024x20x64xf32, #tpu.memory_space<hbm>> -> memref<1x20x64xf32, #tpu.memory_space<hbm>>
    %dma_start3A_53 = tpu.memref_squeeze %dma_start3A_52 : memref<1x20x64xf32, #tpu.memory_space<hbm>> -> memref<20x64xf32, #tpu.memory_space<hbm>>
    %dma_start3A_54 = arith.constant 0 : i32
    %dma_start3A_55 = arith.constant 0 : i32
    %dma_start3A_56 = tpu.memref_slice %arg4[%add3A_46, %dma_start3A_54, %dma_start3A_55] : memref<1024x20x64xf32, #tpu.memory_space<hbm>> -> memref<1x20x64xf32, #tpu.memory_space<hbm>>
    %dma_start3A_57 = tpu.memref_squeeze %dma_start3A_56 : memref<1x20x64xf32, #tpu.memory_space<hbm>> -> memref<20x64xf32, #tpu.memory_space<hbm>>
    %dma_start3A_58 = arith.constant 40 : i32
    %dma_start3A_59 = arith.constant 0 : i32
    %dma_start3A_60 = tpu.memref_slice %arg6[%dma_start3A_58, %dma_start3A_59] : memref<640x64xf32, #tpu.memory_space<vmem>> -> memref<20x64xf32, #tpu.memory_space<vmem>>
    tpu.enqueue_dma source(%dma_start3A_60 : memref<20x64xf32, #tpu.memory_space<vmem>>) target(%dma_start3A_57 : memref<20x64xf32, #tpu.memory_space<hbm>>) target_semaphore(%arg8 : memref<!tpu.dma_semaphore, #tpu.memory_space<semaphore_mem>>)
    %mul3A_61 = arith.constant 32 : i32
    %mul3A_62 = arith.muli %add3A, %mul3A_61 : i32
    %add3A_63 = arith.constant 3 : i32
    %add3A_64 = arith.addi %mul3A_62, %add3A_63 : i32
    %dma_start3A_65 = arith.constant 60 : i32
    %dma_start3A_66 = arith.constant 0 : i32
    %dma_start3A_67 = tpu.memref_slice %arg6[%dma_start3A_65, %dma_start3A_66] : memref<640x64xf32, #tpu.memory_space<vmem>> -> memref<20x64xf32, #tpu.memory_space<vmem>>
    %dma_start3A_68 = arith.constant 0 : i32
    %dma_start3A_69 = arith.constant 0 : i32
    %dma_start3A_70 = tpu.memref_slice %arg4[%add3A_64, %dma_start3A_68, %dma_start3A_69] : memref<1024x20x64xf32, #tpu.memory_space<hbm>> -> memref<1x20x64xf32, #tpu.memory_space<hbm>>
    %dma_start3A_71 = tpu.memref_squeeze %dma_start3A_70 : memref<1x20x64xf32, #tpu.memory_space<hbm>> -> memref<20x64xf32, #tpu.memory_space<hbm>>
    %dma_start3A_72 = arith.constant 0 : i32
    %dma_start3A_73 = arith.constant 0 : i32
    %dma_start3A_74 = tpu.memref_slice %arg4[%add3A_64, %dma_start3A_72, %dma_start3A_73] : memref<1024x20x64xf32, #tpu.memory_space<hbm>> -> memref<1x20x64xf32, #tpu.memory_space<hbm>>
    %dma_start3A_75 = tpu.memref_squeeze %dma_start3A_74 : memref<1x20x64xf32, #tpu.memory_space<hbm>> -> memref<20x64xf32, #tpu.memory_space<hbm>>
    %dma_start3A_76 = arith.constant 60 : i32
    %dma_start3A_77 = arith.constant 0 : i32
    %dma_start3A_78 = tpu.memref_slice %arg6[%dma_start3A_76, %dma_start3A_77] : memref<640x64xf32, #tpu.memory_space<vmem>> -> memref<20x64xf32, #tpu.memory_space<vmem>>
    tpu.enqueue_dma source(%dma_start3A_78 : memref<20x64xf32, #tpu.memory_space<vmem>>) target(%dma_start3A_75 : memref<20x64xf32, #tpu.memory_space<hbm>>) target_semaphore(%arg8 : memref<!tpu.dma_semaphore, #tpu.memory_space<semaphore_mem>>)
    %mul3A_79 = arith.constant 32 : i32
    %mul3A_80 = arith.muli %add3A, %mul3A_79 : i32
    %add3A_81 = arith.constant 4 : i32
    %add3A_82 = arith.addi %mul3A_80, %add3A_81 : i32
    %dma_start3A_83 = arith.constant 80 : i32
    %dma_start3A_84 = arith.constant 0 : i32
    %dma_start3A_85 = tpu.memref_slice %arg6[%dma_start3A_83, %dma_start3A_84] : memref<640x64xf32, #tpu.memory_space<vmem>> -> memref<20x64xf32, #tpu.memory_space<vmem>>
    %dma_start3A_86 = arith.constant 0 : i32
    %dma_start3A_87 = arith.constant 0 : i32
    %dma_start3A_88 = tpu.memref_slice %arg4[%add3A_82, %dma_start3A_86, %dma_start3A_87] : memref<1024x20x64xf32, #tpu.memory_space<hbm>> -> memref<1x20x64xf32, #tpu.memory_space<hbm>>
    %dma_start3A_89 = tpu.memref_squeeze %dma_start3A_88 : memref<1x20x64xf32, #tpu.memory_space<hbm>> -> memref<20x64xf32, #tpu.memory_space<hbm>>
    %dma_start3A_90 = arith.constant 0 : i32
    %dma_start3A_91 = arith.constant 0 : i32
    %dma_start3A_92 = tpu.memref_slice %arg4[%add3A_82, %dma_start3A_90, %dma_start3A_91] : memref<1024x20x64xf32, #tpu.memory_space<hbm>> -> memref<1x20x64xf32, #tpu.memory_space<hbm>>
    %dma_start3A_93 = tpu.memref_squeeze %dma_start3A_92 : memref<1x20x64xf32, #tpu.memory_space<hbm>> -> memref<20x64xf32, #tpu.memory_space<hbm>>
    %dma_start3A_94 = arith.constant 80 : i32
    %dma_start3A_95 = arith.constant 0 : i32
    %dma_start3A_96 = tpu.memref_slice %arg6[%dma_start3A_94, %dma_start3A_95] : memref<640x64xf32, #tpu.memory_space<vmem>> -> memref<20x64xf32, #tpu.memory_space<vmem>>
    tpu.enqueue_dma source(%dma_start3A_96 : memref<20x64xf32, #tpu.memory_space<vmem>>) target(%dma_start3A_93 : memref<20x64xf32, #tpu.memory_space<hbm>>) target_semaphore(%arg8 : memref<!tpu.dma_semaphore, #tpu.memory_space<semaphore_mem>>)
    %mul3A_97 = arith.constant 32 : i32
    %mul3A_98 = arith.muli %add3A, %mul3A_97 : i32
    %add3A_99 = arith.constant 5 : i32
    %add3A_100 = arith.addi %mul3A_98, %add3A_99 : i32
    %dma_start3A_101 = arith.constant 100 : i32
    %dma_start3A_102 = arith.constant 0 : i32
    %dma_start3A_103 = tpu.memref_slice %arg6[%dma_start3A_101, %dma_start3A_102] : memref<640x64xf32, #tpu.memory_space<vmem>> -> memref<20x64xf32, #tpu.memory_space<vmem>>
    %dma_start3A_104 = arith.constant 0 : i32
    %dma_start3A_105 = arith.constant 0 : i32
    %dma_start3A_106 = tpu.memref_slice %arg4[%add3A_100, %dma_start3A_104, %dma_start3A_105] : memref<1024x20x64xf32, #tpu.memory_space<hbm>> -> memref<1x20x64xf32, #tpu.memory_space<hbm>>
    %dma_start3A_107 = tpu.memref_squeeze %dma_start3A_106 : memref<1x20x64xf32, #tpu.memory_space<hbm>> -> memref<20x64xf32, #tpu.memory_space<hbm>>
    %dma_start3A_108 = arith.constant 0 : i32
    %dma_start3A_109 = arith.constant 0 : i32
    %dma_start3A_110 = tpu.memref_slice %arg4[%add3A_100, %dma_start3A_108, %dma_start3A_109] : memref<1024x20x64xf32, #tpu.memory_space<hbm>> -> memref<1x20x64xf32, #tpu.memory_space<hbm>>
    %dma_start3A_111 = tpu.memref_squeeze %dma_start3A_110 : memref<1x20x64xf32, #tpu.memory_space<hbm>> -> memref<20x64xf32, #tpu.memory_space<hbm>>
    %dma_start3A_112 = arith.constant 100 : i32
    %dma_start3A_113 = arith.constant 0 : i32
    %dma_start3A_114 = tpu.memref_slice %arg6[%dma_start3A_112, %dma_start3A_113] : memref<640x64xf32, #tpu.memory_space<vmem>> -> memref<20x64xf32, #tpu.memory_space<vmem>>
    tpu.enqueue_dma source(%dma_start3A_114 : memref<20x64xf32, #tpu.memory_space<vmem>>) target(%dma_start3A_111 : memref<20x64xf32, #tpu.memory_space<hbm>>) target_semaphore(%arg8 : memref<!tpu.dma_semaphore, #tpu.memory_space<semaphore_mem>>)
    %mul3A_115 = arith.constant 32 : i32
    %mul3A_116 = arith.muli %add3A, %mul3A_115 : i32
    %add3A_117 = arith.constant 6 : i32
    %add3A_118 = arith.addi %mul3A_116, %add3A_117 : i32
    %dma_start3A_119 = arith.constant 120 : i32
    %dma_start3A_120 = arith.constant 0 : i32
    %dma_start3A_121 = tpu.memref_slice %arg6[%dma_start3A_119, %dma_start3A_120] : memref<640x64xf32, #tpu.memory_space<vmem>> -> memref<20x64xf32, #tpu.memory_space<vmem>>
    %dma_start3A_122 = arith.constant 0 : i32
    %dma_start3A_123 = arith.constant 0 : i32
    %dma_start3A_124 = tpu.memref_slice %arg4[%add3A_118, %dma_start3A_122, %dma_start3A_123] : memref<1024x20x64xf32, #tpu.memory_space<hbm>> -> memref<1x20x64xf32, #tpu.memory_space<hbm>>
    %dma_start3A_125 = tpu.memref_squeeze %dma_start3A_124 : memref<1x20x64xf32, #tpu.memory_space<hbm>> -> memref<20x64xf32, #tpu.memory_space<hbm>>
    %dma_start3A_126 = arith.constant 0 : i32
    %dma_start3A_127 = arith.constant 0 : i32
    %dma_start3A_128 = tpu.memref_slice %arg4[%add3A_118, %dma_start3A_126, %dma_start3A_127] : memref<1024x20x64xf32, #tpu.memory_space<hbm>> -> memref<1x20x64xf32, #tpu.memory_space<hbm>>
    %dma_start3A_129 = tpu.memref_squeeze %dma_start3A_128 : memref<1x20x64xf32, #tpu.memory_space<hbm>> -> memref<20x64xf32, #tpu.memory_space<hbm>>
    %dma_start3A_130 = arith.constant 120 : i32
    %dma_start3A_131 = arith.constant 0 : i32
    %dma_start3A_132 = tpu.memref_slice %arg6[%dma_start3A_130, %dma_start3A_131] : memref<640x64xf32, #tpu.memory_space<vmem>> -> memref<20x64xf32, #tpu.memory_space<vmem>>
    tpu.enqueue_dma source(%dma_start3A_132 : memref<20x64xf32, #tpu.memory_space<vmem>>) target(%dma_start3A_129 : memref<20x64xf32, #tpu.memory_space<hbm>>) target_semaphore(%arg8 : memref<!tpu.dma_semaphore, #tpu.memory_space<semaphore_mem>>)
    %mul3A_133 = arith.constant 32 : i32
    %mul3A_134 = arith.muli %add3A, %mul3A_133 : i32
    %add3A_135 = arith.constant 7 : i32
    %add3A_136 = arith.addi %mul3A_134, %add3A_135 : i32
    %dma_start3A_137 = arith.constant 140 : i32
    %dma_start3A_138 = arith.constant 0 : i32
    %dma_start3A_139 = tpu.memref_slice %arg6[%dma_start3A_137, %dma_start3A_138] : memref<640x64xf32, #tpu.memory_space<vmem>> -> memref<20x64xf32, #tpu.memory_space<vmem>>
    %dma_start3A_140 = arith.constant 0 : i32
    %dma_start3A_141 = arith.constant 0 : i32
    %dma_start3A_142 = tpu.memref_slice %arg4[%add3A_136, %dma_start3A_140, %dma_start3A_141] : memref<1024x20x64xf32, #tpu.memory_space<hbm>> -> memref<1x20x64xf32, #tpu.memory_space<hbm>>
    %dma_start3A_143 = tpu.memref_squeeze %dma_start3A_142 : memref<1x20x64xf32, #tpu.memory_space<hbm>> -> memref<20x64xf32, #tpu.memory_space<hbm>>
    %dma_start3A_144 = arith.constant 0 : i32
    %dma_start3A_145 = arith.constant 0 : i32
    %dma_start3A_146 = tpu.memref_slice %arg4[%add3A_136, %dma_start3A_144, %dma_start3A_145] : memref<1024x20x64xf32, #tpu.memory_space<hbm>> -> memref<1x20x64xf32, #tpu.memory_space<hbm>>
    %dma_start3A_147 = tpu.memref_squeeze %dma_start3A_146 : memref<1x20x64xf32, #tpu.memory_space<hbm>> -> memref<20x64xf32, #tpu.memory_space<hbm>>
    %dma_start3A_148 = arith.constant 140 : i32
    %dma_start3A_149 = arith.constant 0 : i32
    %dma_start3A_150 = tpu.memref_slice %arg6[%dma_start3A_148, %dma_start3A_149] : memref<640x64xf32, #tpu.memory_space<vmem>> -> memref<20x64xf32, #tpu.memory_space<vmem>>
    tpu.enqueue_dma source(%dma_start3A_150 : memref<20x64xf32, #tpu.memory_space<vmem>>) target(%dma_start3A_147 : memref<20x64xf32, #tpu.memory_space<hbm>>) target_semaphore(%arg8 : memref<!tpu.dma_semaphore, #tpu.memory_space<semaphore_mem>>)
    %mul3A_151 = arith.constant 32 : i32
    %mul3A_152 = arith.muli %add3A, %mul3A_151 : i32
    %add3A_153 = arith.constant 8 : i32
    %add3A_154 = arith.addi %mul3A_152, %add3A_153 : i32
    %dma_start3A_155 = arith.constant 160 : i32
    %dma_start3A_156 = arith.constant 0 : i32
    %dma_start3A_157 = tpu.memref_slice %arg6[%dma_start3A_155, %dma_start3A_156] : memref<640x64xf32, #tpu.memory_space<vmem>> -> memref<20x64xf32, #tpu.memory_space<vmem>>
    %dma_start3A_158 = arith.constant 0 : i32
    %dma_start3A_159 = arith.constant 0 : i32
    %dma_start3A_160 = tpu.memref_slice %arg4[%add3A_154, %dma_start3A_158, %dma_start3A_159] : memref<1024x20x64xf32, #tpu.memory_space<hbm>> -> memref<1x20x64xf32, #tpu.memory_space<hbm>>
    %dma_start3A_161 = tpu.memref_squeeze %dma_start3A_160 : memref<1x20x64xf32, #tpu.memory_space<hbm>> -> memref<20x64xf32, #tpu.memory_space<hbm>>
    %dma_start3A_162 = arith.constant 0 : i32
    %dma_start3A_163 = arith.constant 0 : i32
    %dma_start3A_164 = tpu.memref_slice %arg4[%add3A_154, %dma_start3A_162, %dma_start3A_163] : memref<1024x20x64xf32, #tpu.memory_space<hbm>> -> memref<1x20x64xf32, #tpu.memory_space<hbm>>
    %dma_start3A_165 = tpu.memref_squeeze %dma_start3A_164 : memref<1x20x64xf32, #tpu.memory_space<hbm>> -> memref<20x64xf32, #tpu.memory_space<hbm>>
    %dma_start3A_166 = arith.constant 160 : i32
    %dma_start3A_167 = arith.constant 0 : i32
    %dma_start3A_168 = tpu.memref_slice %arg6[%dma_start3A_166, %dma_start3A_167] : memref<640x64xf32, #tpu.memory_space<vmem>> -> memref<20x64xf32, #tpu.memory_space<vmem>>
    tpu.enqueue_dma source(%dma_start3A_168 : memref<20x64xf32, #tpu.memory_space<vmem>>) target(%dma_start3A_165 : memref<20x64xf32, #tpu.memory_space<hbm>>) target_semaphore(%arg8 : memref<!tpu.dma_semaphore, #tpu.memory_space<semaphore_mem>>)
    %mul3A_169 = arith.constant 32 : i32
    %mul3A_170 = arith.muli %add3A, %mul3A_169 : i32
    %add3A_171 = arith.constant 9 : i32
    %add3A_172 = arith.addi %mul3A_170, %add3A_171 : i32
    %dma_start3A_173 = arith.constant 180 : i32
    %dma_start3A_174 = arith.constant 0 : i32
    %dma_start3A_175 = tpu.memref_slice %arg6[%dma_start3A_173, %dma_start3A_174] : memref<640x64xf32, #tpu.memory_space<vmem>> -> memref<20x64xf32, #tpu.memory_space<vmem>>
    %dma_start3A_176 = arith.constant 0 : i32
    %dma_start3A_177 = arith.constant 0 : i32
    %dma_start3A_178 = tpu.memref_slice %arg4[%add3A_172, %dma_start3A_176, %dma_start3A_177] : memref<1024x20x64xf32, #tpu.memory_space<hbm>> -> memref<1x20x64xf32, #tpu.memory_space<hbm>>
    %dma_start3A_179 = tpu.memref_squeeze %dma_start3A_178 : memref<1x20x64xf32, #tpu.memory_space<hbm>> -> memref<20x64xf32, #tpu.memory_space<hbm>>
    %dma_start3A_180 = arith.constant 0 : i32
    %dma_start3A_181 = arith.constant 0 : i32
    %dma_start3A_182 = tpu.memref_slice %arg4[%add3A_172, %dma_start3A_180, %dma_start3A_181] : memref<1024x20x64xf32, #tpu.memory_space<hbm>> -> memref<1x20x64xf32, #tpu.memory_space<hbm>>
    %dma_start3A_183 = tpu.memref_squeeze %dma_start3A_182 : memref<1x20x64xf32, #tpu.memory_space<hbm>> -> memref<20x64xf32, #tpu.memory_space<hbm>>
    %dma_start3A_184 = arith.constant 180 : i32
    %dma_start3A_185 = arith.constant 0 : i32
    %dma_start3A_186 = tpu.memref_slice %arg6[%dma_start3A_184, %dma_start3A_185] : memref<640x64xf32, #tpu.memory_space<vmem>> -> memref<20x64xf32, #tpu.memory_space<vmem>>
    tpu.enqueue_dma source(%dma_start3A_186 : memref<20x64xf32, #tpu.memory_space<vmem>>) target(%dma_start3A_183 : memref<20x64xf32, #tpu.memory_space<hbm>>) target_semaphore(%arg8 : memref<!tpu.dma_semaphore, #tpu.memory_space<semaphore_mem>>)
    %mul3A_187 = arith.constant 32 : i32
    %mul3A_188 = arith.muli %add3A, %mul3A_187 : i32
    %add3A_189 = arith.constant 10 : i32
    %add3A_190 = arith.addi %mul3A_188, %add3A_189 : i32
    %dma_start3A_191 = arith.constant 200 : i32
    %dma_start3A_192 = arith.constant 0 : i32
    %dma_start3A_193 = tpu.memref_slice %arg6[%dma_start3A_191, %dma_start3A_192] : memref<640x64xf32, #tpu.memory_space<vmem>> -> memref<20x64xf32, #tpu.memory_space<vmem>>
    %dma_start3A_194 = arith.constant 0 : i32
    %dma_start3A_195 = arith.constant 0 : i32
    %dma_start3A_196 = tpu.memref_slice %arg4[%add3A_190, %dma_start3A_194, %dma_start3A_195] : memref<1024x20x64xf32, #tpu.memory_space<hbm>> -> memref<1x20x64xf32, #tpu.memory_space<hbm>>
    %dma_start3A_197 = tpu.memref_squeeze %dma_start3A_196 : memref<1x20x64xf32, #tpu.memory_space<hbm>> -> memref<20x64xf32, #tpu.memory_space<hbm>>
    %dma_start3A_198 = arith.constant 0 : i32
    %dma_start3A_199 = arith.constant 0 : i32
    %dma_start3A_200 = tpu.memref_slice %arg4[%add3A_190, %dma_start3A_198, %dma_start3A_199] : memref<1024x20x64xf32, #tpu.memory_space<hbm>> -> memref<1x20x64xf32, #tpu.memory_space<hbm>>
    %dma_start3A_201 = tpu.memref_squeeze %dma_start3A_200 : memref<1x20x64xf32, #tpu.memory_space<hbm>> -> memref<20x64xf32, #tpu.memory_space<hbm>>
    %dma_start3A_202 = arith.constant 200 : i32
    %dma_start3A_203 = arith.constant 0 : i32
    %dma_start3A_204 = tpu.memref_slice %arg6[%dma_start3A_202, %dma_start3A_203] : memref<640x64xf32, #tpu.memory_space<vmem>> -> memref<20x64xf32, #tpu.memory_space<vmem>>
    tpu.enqueue_dma source(%dma_start3A_204 : memref<20x64xf32, #tpu.memory_space<vmem>>) target(%dma_start3A_201 : memref<20x64xf32, #tpu.memory_space<hbm>>) target_semaphore(%arg8 : memref<!tpu.dma_semaphore, #tpu.memory_space<semaphore_mem>>)
    %mul3A_205 = arith.constant 32 : i32
    %mul3A_206 = arith.muli %add3A, %mul3A_205 : i32
    %add3A_207 = arith.constant 11 : i32
    %add3A_208 = arith.addi %mul3A_206, %add3A_207 : i32
    %dma_start3A_209 = arith.constant 220 : i32
    %dma_start3A_210 = arith.constant 0 : i32
    %dma_start3A_211 = tpu.memref_slice %arg6[%dma_start3A_209, %dma_start3A_210] : memref<640x64xf32, #tpu.memory_space<vmem>> -> memref<20x64xf32, #tpu.memory_space<vmem>>
    %dma_start3A_212 = arith.constant 0 : i32
    %dma_start3A_213 = arith.constant 0 : i32
    %dma_start3A_214 = tpu.memref_slice %arg4[%add3A_208, %dma_start3A_212, %dma_start3A_213] : memref<1024x20x64xf32, #tpu.memory_space<hbm>> -> memref<1x20x64xf32, #tpu.memory_space<hbm>>
    %dma_start3A_215 = tpu.memref_squeeze %dma_start3A_214 : memref<1x20x64xf32, #tpu.memory_space<hbm>> -> memref<20x64xf32, #tpu.memory_space<hbm>>
    %dma_start3A_216 = arith.constant 0 : i32
    %dma_start3A_217 = arith.constant 0 : i32
    %dma_start3A_218 = tpu.memref_slice %arg4[%add3A_208, %dma_start3A_216, %dma_start3A_217] : memref<1024x20x64xf32, #tpu.memory_space<hbm>> -> memref<1x20x64xf32, #tpu.memory_space<hbm>>
    %dma_start3A_219 = tpu.memref_squeeze %dma_start3A_218 : memref<1x20x64xf32, #tpu.memory_space<hbm>> -> memref<20x64xf32, #tpu.memory_space<hbm>>
    %dma_start3A_220 = arith.constant 220 : i32
    %dma_start3A_221 = arith.constant 0 : i32
    %dma_start3A_222 = tpu.memref_slice %arg6[%dma_start3A_220, %dma_start3A_221] : memref<640x64xf32, #tpu.memory_space<vmem>> -> memref<20x64xf32, #tpu.memory_space<vmem>>
    tpu.enqueue_dma source(%dma_start3A_222 : memref<20x64xf32, #tpu.memory_space<vmem>>) target(%dma_start3A_219 : memref<20x64xf32, #tpu.memory_space<hbm>>) target_semaphore(%arg8 : memref<!tpu.dma_semaphore, #tpu.memory_space<semaphore_mem>>)
    %mul3A_223 = arith.constant 32 : i32
    %mul3A_224 = arith.muli %add3A, %mul3A_223 : i32
    %add3A_225 = arith.constant 12 : i32
    %add3A_226 = arith.addi %mul3A_224, %add3A_225 : i32
    %dma_start3A_227 = arith.constant 240 : i32
    %dma_start3A_228 = arith.constant 0 : i32
    %dma_start3A_229 = tpu.memref_slice %arg6[%dma_start3A_227, %dma_start3A_228] : memref<640x64xf32, #tpu.memory_space<vmem>> -> memref<20x64xf32, #tpu.memory_space<vmem>>
    %dma_start3A_230 = arith.constant 0 : i32
    %dma_start3A_231 = arith.constant 0 : i32
    %dma_start3A_232 = tpu.memref_slice %arg4[%add3A_226, %dma_start3A_230, %dma_start3A_231] : memref<1024x20x64xf32, #tpu.memory_space<hbm>> -> memref<1x20x64xf32, #tpu.memory_space<hbm>>
    %dma_start3A_233 = tpu.memref_squeeze %dma_start3A_232 : memref<1x20x64xf32, #tpu.memory_space<hbm>> -> memref<20x64xf32, #tpu.memory_space<hbm>>
    %dma_start3A_234 = arith.constant 0 : i32
    %dma_start3A_235 = arith.constant 0 : i32
    %dma_start3A_236 = tpu.memref_slice %arg4[%add3A_226, %dma_start3A_234, %dma_start3A_235] : memref<1024x20x64xf32, #tpu.memory_space<hbm>> -> memref<1x20x64xf32, #tpu.memory_space<hbm>>
    %dma_start3A_237 = tpu.memref_squeeze %dma_start3A_236 : memref<1x20x64xf32, #tpu.memory_space<hbm>> -> memref<20x64xf32, #tpu.memory_space<hbm>>
    %dma_start3A_238 = arith.constant 240 : i32
    %dma_start3A_239 = arith.constant 0 : i32
    %dma_start3A_240 = tpu.memref_slice %arg6[%dma_start3A_238, %dma_start3A_239] : memref<640x64xf32, #tpu.memory_space<vmem>> -> memref<20x64xf32, #tpu.memory_space<vmem>>
    tpu.enqueue_dma source(%dma_start3A_240 : memref<20x64xf32, #tpu.memory_space<vmem>>) target(%dma_start3A_237 : memref<20x64xf32, #tpu.memory_space<hbm>>) target_semaphore(%arg8 : memref<!tpu.dma_semaphore, #tpu.memory_space<semaphore_mem>>)
    %mul3A_241 = arith.constant 32 : i32
    %mul3A_242 = arith.muli %add3A, %mul3A_241 : i32
    %add3A_243 = arith.constant 13 : i32
    %add3A_244 = arith.addi %mul3A_242, %add3A_243 : i32
    %dma_start3A_245 = arith.constant 260 : i32
    %dma_start3A_246 = arith.constant 0 : i32
    %dma_start3A_247 = tpu.memref_slice %arg6[%dma_start3A_245, %dma_start3A_246] : memref<640x64xf32, #tpu.memory_space<vmem>> -> memref<20x64xf32, #tpu.memory_space<vmem>>
    %dma_start3A_248 = arith.constant 0 : i32
    %dma_start3A_249 = arith.constant 0 : i32
    %dma_start3A_250 = tpu.memref_slice %arg4[%add3A_244, %dma_start3A_248, %dma_start3A_249] : memref<1024x20x64xf32, #tpu.memory_space<hbm>> -> memref<1x20x64xf32, #tpu.memory_space<hbm>>
    %dma_start3A_251 = tpu.memref_squeeze %dma_start3A_250 : memref<1x20x64xf32, #tpu.memory_space<hbm>> -> memref<20x64xf32, #tpu.memory_space<hbm>>
    %dma_start3A_252 = arith.constant 0 : i32
    %dma_start3A_253 = arith.constant 0 : i32
    %dma_start3A_254 = tpu.memref_slice %arg4[%add3A_244, %dma_start3A_252, %dma_start3A_253] : memref<1024x20x64xf32, #tpu.memory_space<hbm>> -> memref<1x20x64xf32, #tpu.memory_space<hbm>>
    %dma_start3A_255 = tpu.memref_squeeze %dma_start3A_254 : memref<1x20x64xf32, #tpu.memory_space<hbm>> -> memref<20x64xf32, #tpu.memory_space<hbm>>
    %dma_start3A_256 = arith.constant 260 : i32
    %dma_start3A_257 = arith.constant 0 : i32
    %dma_start3A_258 = tpu.memref_slice %arg6[%dma_start3A_256, %dma_start3A_257] : memref<640x64xf32, #tpu.memory_space<vmem>> -> memref<20x64xf32, #tpu.memory_space<vmem>>
    tpu.enqueue_dma source(%dma_start3A_258 : memref<20x64xf32, #tpu.memory_space<vmem>>) target(%dma_start3A_255 : memref<20x64xf32, #tpu.memory_space<hbm>>) target_semaphore(%arg8 : memref<!tpu.dma_semaphore, #tpu.memory_space<semaphore_mem>>)
    %mul3A_259 = arith.constant 32 : i32
    %mul3A_260 = arith.muli %add3A, %mul3A_259 : i32
    %add3A_261 = arith.constant 14 : i32
    %add3A_262 = arith.addi %mul3A_260, %add3A_261 : i32
    %dma_start3A_263 = arith.constant 280 : i32
    %dma_start3A_264 = arith.constant 0 : i32
    %dma_start3A_265 = tpu.memref_slice %arg6[%dma_start3A_263, %dma_start3A_264] : memref<640x64xf32, #tpu.memory_space<vmem>> -> memref<20x64xf32, #tpu.memory_space<vmem>>
    %dma_start3A_266 = arith.constant 0 : i32
    %dma_start3A_267 = arith.constant 0 : i32
    %dma_start3A_268 = tpu.memref_slice %arg4[%add3A_262, %dma_start3A_266, %dma_start3A_267] : memref<1024x20x64xf32, #tpu.memory_space<hbm>> -> memref<1x20x64xf32, #tpu.memory_space<hbm>>
    %dma_start3A_269 = tpu.memref_squeeze %dma_start3A_268 : memref<1x20x64xf32, #tpu.memory_space<hbm>> -> memref<20x64xf32, #tpu.memory_space<hbm>>
    %dma_start3A_270 = arith.constant 0 : i32
    %dma_start3A_271 = arith.constant 0 : i32
    %dma_start3A_272 = tpu.memref_slice %arg4[%add3A_262, %dma_start3A_270, %dma_start3A_271] : memref<1024x20x64xf32, #tpu.memory_space<hbm>> -> memref<1x20x64xf32, #tpu.memory_space<hbm>>
    %dma_start3A_273 = tpu.memref_squeeze %dma_start3A_272 : memref<1x20x64xf32, #tpu.memory_space<hbm>> -> memref<20x64xf32, #tpu.memory_space<hbm>>
    %dma_start3A_274 = arith.constant 280 : i32
    %dma_start3A_275 = arith.constant 0 : i32
    %dma_start3A_276 = tpu.memref_slice %arg6[%dma_start3A_274, %dma_start3A_275] : memref<640x64xf32, #tpu.memory_space<vmem>> -> memref<20x64xf32, #tpu.memory_space<vmem>>
    tpu.enqueue_dma source(%dma_start3A_276 : memref<20x64xf32, #tpu.memory_space<vmem>>) target(%dma_start3A_273 : memref<20x64xf32, #tpu.memory_space<hbm>>) target_semaphore(%arg8 : memref<!tpu.dma_semaphore, #tpu.memory_space<semaphore_mem>>)
    %mul3A_277 = arith.constant 32 : i32
    %mul3A_278 = arith.muli %add3A, %mul3A_277 : i32
    %add3A_279 = arith.constant 15 : i32
    %add3A_280 = arith.addi %mul3A_278, %add3A_279 : i32
    %dma_start3A_281 = arith.constant 300 : i32
    %dma_start3A_282 = arith.constant 0 : i32
    %dma_start3A_283 = tpu.memref_slice %arg6[%dma_start3A_281, %dma_start3A_282] : memref<640x64xf32, #tpu.memory_space<vmem>> -> memref<20x64xf32, #tpu.memory_space<vmem>>
    %dma_start3A_284 = arith.constant 0 : i32
    %dma_start3A_285 = arith.constant 0 : i32
    %dma_start3A_286 = tpu.memref_slice %arg4[%add3A_280, %dma_start3A_284, %dma_start3A_285] : memref<1024x20x64xf32, #tpu.memory_space<hbm>> -> memref<1x20x64xf32, #tpu.memory_space<hbm>>
    %dma_start3A_287 = tpu.memref_squeeze %dma_start3A_286 : memref<1x20x64xf32, #tpu.memory_space<hbm>> -> memref<20x64xf32, #tpu.memory_space<hbm>>
    %dma_start3A_288 = arith.constant 0 : i32
    %dma_start3A_289 = arith.constant 0 : i32
    %dma_start3A_290 = tpu.memref_slice %arg4[%add3A_280, %dma_start3A_288, %dma_start3A_289] : memref<1024x20x64xf32, #tpu.memory_space<hbm>> -> memref<1x20x64xf32, #tpu.memory_space<hbm>>
    %dma_start3A_291 = tpu.memref_squeeze %dma_start3A_290 : memref<1x20x64xf32, #tpu.memory_space<hbm>> -> memref<20x64xf32, #tpu.memory_space<hbm>>
    %dma_start3A_292 = arith.constant 300 : i32
    %dma_start3A_293 = arith.constant 0 : i32
    %dma_start3A_294 = tpu.memref_slice %arg6[%dma_start3A_292, %dma_start3A_293] : memref<640x64xf32, #tpu.memory_space<vmem>> -> memref<20x64xf32, #tpu.memory_space<vmem>>
    tpu.enqueue_dma source(%dma_start3A_294 : memref<20x64xf32, #tpu.memory_space<vmem>>) target(%dma_start3A_291 : memref<20x64xf32, #tpu.memory_space<hbm>>) target_semaphore(%arg8 : memref<!tpu.dma_semaphore, #tpu.memory_space<semaphore_mem>>)
    %mul3A_295 = arith.constant 32 : i32
    %mul3A_296 = arith.muli %add3A, %mul3A_295 : i32
    %add3A_297 = arith.constant 16 : i32
    %add3A_298 = arith.addi %mul3A_296, %add3A_297 : i32
    %dma_start3A_299 = arith.constant 320 : i32
    %dma_start3A_300 = arith.constant 0 : i32
    %dma_start3A_301 = tpu.memref_slice %arg6[%dma_start3A_299, %dma_start3A_300] : memref<640x64xf32, #tpu.memory_space<vmem>> -> memref<20x64xf32, #tpu.memory_space<vmem>>
    %dma_start3A_302 = arith.constant 0 : i32
    %dma_start3A_303 = arith.constant 0 : i32
    %dma_start3A_304 = tpu.memref_slice %arg4[%add3A_298, %dma_start3A_302, %dma_start3A_303] : memref<1024x20x64xf32, #tpu.memory_space<hbm>> -> memref<1x20x64xf32, #tpu.memory_space<hbm>>
    %dma_start3A_305 = tpu.memref_squeeze %dma_start3A_304 : memref<1x20x64xf32, #tpu.memory_space<hbm>> -> memref<20x64xf32, #tpu.memory_space<hbm>>
    %dma_start3A_306 = arith.constant 0 : i32
    %dma_start3A_307 = arith.constant 0 : i32
    %dma_start3A_308 = tpu.memref_slice %arg4[%add3A_298, %dma_start3A_306, %dma_start3A_307] : memref<1024x20x64xf32, #tpu.memory_space<hbm>> -> memref<1x20x64xf32, #tpu.memory_space<hbm>>
    %dma_start3A_309 = tpu.memref_squeeze %dma_start3A_308 : memref<1x20x64xf32, #tpu.memory_space<hbm>> -> memref<20x64xf32, #tpu.memory_space<hbm>>
    %dma_start3A_310 = arith.constant 320 : i32
    %dma_start3A_311 = arith.constant 0 : i32
    %dma_start3A_312 = tpu.memref_slice %arg6[%dma_start3A_310, %dma_start3A_311] : memref<640x64xf32, #tpu.memory_space<vmem>> -> memref<20x64xf32, #tpu.memory_space<vmem>>
    tpu.enqueue_dma source(%dma_start3A_312 : memref<20x64xf32, #tpu.memory_space<vmem>>) target(%dma_start3A_309 : memref<20x64xf32, #tpu.memory_space<hbm>>) target_semaphore(%arg8 : memref<!tpu.dma_semaphore, #tpu.memory_space<semaphore_mem>>)
    %mul3A_313 = arith.constant 32 : i32
    %mul3A_314 = arith.muli %add3A, %mul3A_313 : i32
    %add3A_315 = arith.constant 17 : i32
    %add3A_316 = arith.addi %mul3A_314, %add3A_315 : i32
    %dma_start3A_317 = arith.constant 340 : i32
    %dma_start3A_318 = arith.constant 0 : i32
    %dma_start3A_319 = tpu.memref_slice %arg6[%dma_start3A_317, %dma_start3A_318] : memref<640x64xf32, #tpu.memory_space<vmem>> -> memref<20x64xf32, #tpu.memory_space<vmem>>
    %dma_start3A_320 = arith.constant 0 : i32
    %dma_start3A_321 = arith.constant 0 : i32
    %dma_start3A_322 = tpu.memref_slice %arg4[%add3A_316, %dma_start3A_320, %dma_start3A_321] : memref<1024x20x64xf32, #tpu.memory_space<hbm>> -> memref<1x20x64xf32, #tpu.memory_space<hbm>>
    %dma_start3A_323 = tpu.memref_squeeze %dma_start3A_322 : memref<1x20x64xf32, #tpu.memory_space<hbm>> -> memref<20x64xf32, #tpu.memory_space<hbm>>
    %dma_start3A_324 = arith.constant 0 : i32
    %dma_start3A_325 = arith.constant 0 : i32
    %dma_start3A_326 = tpu.memref_slice %arg4[%add3A_316, %dma_start3A_324, %dma_start3A_325] : memref<1024x20x64xf32, #tpu.memory_space<hbm>> -> memref<1x20x64xf32, #tpu.memory_space<hbm>>
    %dma_start3A_327 = tpu.memref_squeeze %dma_start3A_326 : memref<1x20x64xf32, #tpu.memory_space<hbm>> -> memref<20x64xf32, #tpu.memory_space<hbm>>
    %dma_start3A_328 = arith.constant 340 : i32
    %dma_start3A_329 = arith.constant 0 : i32
    %dma_start3A_330 = tpu.memref_slice %arg6[%dma_start3A_328, %dma_start3A_329] : memref<640x64xf32, #tpu.memory_space<vmem>> -> memref<20x64xf32, #tpu.memory_space<vmem>>
    tpu.enqueue_dma source(%dma_start3A_330 : memref<20x64xf32, #tpu.memory_space<vmem>>) target(%dma_start3A_327 : memref<20x64xf32, #tpu.memory_space<hbm>>) target_semaphore(%arg8 : memref<!tpu.dma_semaphore, #tpu.memory_space<semaphore_mem>>)
    %mul3A_331 = arith.constant 32 : i32
    %mul3A_332 = arith.muli %add3A, %mul3A_331 : i32
    %add3A_333 = arith.constant 18 : i32
    %add3A_334 = arith.addi %mul3A_332, %add3A_333 : i32
    %dma_start3A_335 = arith.constant 360 : i32
    %dma_start3A_336 = arith.constant 0 : i32
    %dma_start3A_337 = tpu.memref_slice %arg6[%dma_start3A_335, %dma_start3A_336] : memref<640x64xf32, #tpu.memory_space<vmem>> -> memref<20x64xf32, #tpu.memory_space<vmem>>
    %dma_start3A_338 = arith.constant 0 : i32
    %dma_start3A_339 = arith.constant 0 : i32
    %dma_start3A_340 = tpu.memref_slice %arg4[%add3A_334, %dma_start3A_338, %dma_start3A_339] : memref<1024x20x64xf32, #tpu.memory_space<hbm>> -> memref<1x20x64xf32, #tpu.memory_space<hbm>>
    %dma_start3A_341 = tpu.memref_squeeze %dma_start3A_340 : memref<1x20x64xf32, #tpu.memory_space<hbm>> -> memref<20x64xf32, #tpu.memory_space<hbm>>
    %dma_start3A_342 = arith.constant 0 : i32
    %dma_start3A_343 = arith.constant 0 : i32
    %dma_start3A_344 = tpu.memref_slice %arg4[%add3A_334, %dma_start3A_342, %dma_start3A_343] : memref<1024x20x64xf32, #tpu.memory_space<hbm>> -> memref<1x20x64xf32, #tpu.memory_space<hbm>>
    %dma_start3A_345 = tpu.memref_squeeze %dma_start3A_344 : memref<1x20x64xf32, #tpu.memory_space<hbm>> -> memref<20x64xf32, #tpu.memory_space<hbm>>
    %dma_start3A_346 = arith.constant 360 : i32
    %dma_start3A_347 = arith.constant 0 : i32
    %dma_start3A_348 = tpu.memref_slice %arg6[%dma_start3A_346, %dma_start3A_347] : memref<640x64xf32, #tpu.memory_space<vmem>> -> memref<20x64xf32, #tpu.memory_space<vmem>>
    tpu.enqueue_dma source(%dma_start3A_348 : memref<20x64xf32, #tpu.memory_space<vmem>>) target(%dma_start3A_345 : memref<20x64xf32, #tpu.memory_space<hbm>>) target_semaphore(%arg8 : memref<!tpu.dma_semaphore, #tpu.memory_space<semaphore_mem>>)
    %mul3A_349 = arith.constant 32 : i32
    %mul3A_350 = arith.muli %add3A, %mul3A_349 : i32
    %add3A_351 = arith.constant 19 : i32
    %add3A_352 = arith.addi %mul3A_350, %add3A_351 : i32
    %dma_start3A_353 = arith.constant 380 : i32
    %dma_start3A_354 = arith.constant 0 : i32
    %dma_start3A_355 = tpu.memref_slice %arg6[%dma_start3A_353, %dma_start3A_354] : memref<640x64xf32, #tpu.memory_space<vmem>> -> memref<20x64xf32, #tpu.memory_space<vmem>>
    %dma_start3A_356 = arith.constant 0 : i32
    %dma_start3A_357 = arith.constant 0 : i32
    %dma_start3A_358 = tpu.memref_slice %arg4[%add3A_352, %dma_start3A_356, %dma_start3A_357] : memref<1024x20x64xf32, #tpu.memory_space<hbm>> -> memref<1x20x64xf32, #tpu.memory_space<hbm>>
    %dma_start3A_359 = tpu.memref_squeeze %dma_start3A_358 : memref<1x20x64xf32, #tpu.memory_space<hbm>> -> memref<20x64xf32, #tpu.memory_space<hbm>>
    %dma_start3A_360 = arith.constant 0 : i32
    %dma_start3A_361 = arith.constant 0 : i32
    %dma_start3A_362 = tpu.memref_slice %arg4[%add3A_352, %dma_start3A_360, %dma_start3A_361] : memref<1024x20x64xf32, #tpu.memory_space<hbm>> -> memref<1x20x64xf32, #tpu.memory_space<hbm>>
    %dma_start3A_363 = tpu.memref_squeeze %dma_start3A_362 : memref<1x20x64xf32, #tpu.memory_space<hbm>> -> memref<20x64xf32, #tpu.memory_space<hbm>>
    %dma_start3A_364 = arith.constant 380 : i32
    %dma_start3A_365 = arith.constant 0 : i32
    %dma_start3A_366 = tpu.memref_slice %arg6[%dma_start3A_364, %dma_start3A_365] : memref<640x64xf32, #tpu.memory_space<vmem>> -> memref<20x64xf32, #tpu.memory_space<vmem>>
    tpu.enqueue_dma source(%dma_start3A_366 : memref<20x64xf32, #tpu.memory_space<vmem>>) target(%dma_start3A_363 : memref<20x64xf32, #tpu.memory_space<hbm>>) target_semaphore(%arg8 : memref<!tpu.dma_semaphore, #tpu.memory_space<semaphore_mem>>)
    %mul3A_367 = arith.constant 32 : i32
    %mul3A_368 = arith.muli %add3A, %mul3A_367 : i32
    %add3A_369 = arith.constant 20 : i32
    %add3A_370 = arith.addi %mul3A_368, %add3A_369 : i32
    %dma_start3A_371 = arith.constant 400 : i32
    %dma_start3A_372 = arith.constant 0 : i32
    %dma_start3A_373 = tpu.memref_slice %arg6[%dma_start3A_371, %dma_start3A_372] : memref<640x64xf32, #tpu.memory_space<vmem>> -> memref<20x64xf32, #tpu.memory_space<vmem>>
    %dma_start3A_374 = arith.constant 0 : i32
    %dma_start3A_375 = arith.constant 0 : i32
    %dma_start3A_376 = tpu.memref_slice %arg4[%add3A_370, %dma_start3A_374, %dma_start3A_375] : memref<1024x20x64xf32, #tpu.memory_space<hbm>> -> memref<1x20x64xf32, #tpu.memory_space<hbm>>
    %dma_start3A_377 = tpu.memref_squeeze %dma_start3A_376 : memref<1x20x64xf32, #tpu.memory_space<hbm>> -> memref<20x64xf32, #tpu.memory_space<hbm>>
    %dma_start3A_378 = arith.constant 0 : i32
    %dma_start3A_379 = arith.constant 0 : i32
    %dma_start3A_380 = tpu.memref_slice %arg4[%add3A_370, %dma_start3A_378, %dma_start3A_379] : memref<1024x20x64xf32, #tpu.memory_space<hbm>> -> memref<1x20x64xf32, #tpu.memory_space<hbm>>
    %dma_start3A_381 = tpu.memref_squeeze %dma_start3A_380 : memref<1x20x64xf32, #tpu.memory_space<hbm>> -> memref<20x64xf32, #tpu.memory_space<hbm>>
    %dma_start3A_382 = arith.constant 400 : i32
    %dma_start3A_383 = arith.constant 0 : i32
    %dma_start3A_384 = tpu.memref_slice %arg6[%dma_start3A_382, %dma_start3A_383] : memref<640x64xf32, #tpu.memory_space<vmem>> -> memref<20x64xf32, #tpu.memory_space<vmem>>
    tpu.enqueue_dma source(%dma_start3A_384 : memref<20x64xf32, #tpu.memory_space<vmem>>) target(%dma_start3A_381 : memref<20x64xf32, #tpu.memory_space<hbm>>) target_semaphore(%arg8 : memref<!tpu.dma_semaphore, #tpu.memory_space<semaphore_mem>>)
    %mul3A_385 = arith.constant 32 : i32
    %mul3A_386 = arith.muli %add3A, %mul3A_385 : i32
    %add3A_387 = arith.constant 21 : i32
    %add3A_388 = arith.addi %mul3A_386, %add3A_387 : i32
    %dma_start3A_389 = arith.constant 420 : i32
    %dma_start3A_390 = arith.constant 0 : i32
    %dma_start3A_391 = tpu.memref_slice %arg6[%dma_start3A_389, %dma_start3A_390] : memref<640x64xf32, #tpu.memory_space<vmem>> -> memref<20x64xf32, #tpu.memory_space<vmem>>
    %dma_start3A_392 = arith.constant 0 : i32
    %dma_start3A_393 = arith.constant 0 : i32
    %dma_start3A_394 = tpu.memref_slice %arg4[%add3A_388, %dma_start3A_392, %dma_start3A_393] : memref<1024x20x64xf32, #tpu.memory_space<hbm>> -> memref<1x20x64xf32, #tpu.memory_space<hbm>>
    %dma_start3A_395 = tpu.memref_squeeze %dma_start3A_394 : memref<1x20x64xf32, #tpu.memory_space<hbm>> -> memref<20x64xf32, #tpu.memory_space<hbm>>
    %dma_start3A_396 = arith.constant 0 : i32
    %dma_start3A_397 = arith.constant 0 : i32
    %dma_start3A_398 = tpu.memref_slice %arg4[%add3A_388, %dma_start3A_396, %dma_start3A_397] : memref<1024x20x64xf32, #tpu.memory_space<hbm>> -> memref<1x20x64xf32, #tpu.memory_space<hbm>>
    %dma_start3A_399 = tpu.memref_squeeze %dma_start3A_398 : memref<1x20x64xf32, #tpu.memory_space<hbm>> -> memref<20x64xf32, #tpu.memory_space<hbm>>
    %dma_start3A_400 = arith.constant 420 : i32
    %dma_start3A_401 = arith.constant 0 : i32
    %dma_start3A_402 = tpu.memref_slice %arg6[%dma_start3A_400, %dma_start3A_401] : memref<640x64xf32, #tpu.memory_space<vmem>> -> memref<20x64xf32, #tpu.memory_space<vmem>>
    tpu.enqueue_dma source(%dma_start3A_402 : memref<20x64xf32, #tpu.memory_space<vmem>>) target(%dma_start3A_399 : memref<20x64xf32, #tpu.memory_space<hbm>>) target_semaphore(%arg8 : memref<!tpu.dma_semaphore, #tpu.memory_space<semaphore_mem>>)
    %mul3A_403 = arith.constant 32 : i32
    %mul3A_404 = arith.muli %add3A, %mul3A_403 : i32
    %add3A_405 = arith.constant 22 : i32
    %add3A_406 = arith.addi %mul3A_404, %add3A_405 : i32
    %dma_start3A_407 = arith.constant 440 : i32
    %dma_start3A_408 = arith.constant 0 : i32
    %dma_start3A_409 = tpu.memref_slice %arg6[%dma_start3A_407, %dma_start3A_408] : memref<640x64xf32, #tpu.memory_space<vmem>> -> memref<20x64xf32, #tpu.memory_space<vmem>>
    %dma_start3A_410 = arith.constant 0 : i32
    %dma_start3A_411 = arith.constant 0 : i32
    %dma_start3A_412 = tpu.memref_slice %arg4[%add3A_406, %dma_start3A_410, %dma_start3A_411] : memref<1024x20x64xf32, #tpu.memory_space<hbm>> -> memref<1x20x64xf32, #tpu.memory_space<hbm>>
    %dma_start3A_413 = tpu.memref_squeeze %dma_start3A_412 : memref<1x20x64xf32, #tpu.memory_space<hbm>> -> memref<20x64xf32, #tpu.memory_space<hbm>>
    %dma_start3A_414 = arith.constant 0 : i32
    %dma_start3A_415 = arith.constant 0 : i32
    %dma_start3A_416 = tpu.memref_slice %arg4[%add3A_406, %dma_start3A_414, %dma_start3A_415] : memref<1024x20x64xf32, #tpu.memory_space<hbm>> -> memref<1x20x64xf32, #tpu.memory_space<hbm>>
    %dma_start3A_417 = tpu.memref_squeeze %dma_start3A_416 : memref<1x20x64xf32, #tpu.memory_space<hbm>> -> memref<20x64xf32, #tpu.memory_space<hbm>>
    %dma_start3A_418 = arith.constant 440 : i32
    %dma_start3A_419 = arith.constant 0 : i32
    %dma_start3A_420 = tpu.memref_slice %arg6[%dma_start3A_418, %dma_start3A_419] : memref<640x64xf32, #tpu.memory_space<vmem>> -> memref<20x64xf32, #tpu.memory_space<vmem>>
    tpu.enqueue_dma source(%dma_start3A_420 : memref<20x64xf32, #tpu.memory_space<vmem>>) target(%dma_start3A_417 : memref<20x64xf32, #tpu.memory_space<hbm>>) target_semaphore(%arg8 : memref<!tpu.dma_semaphore, #tpu.memory_space<semaphore_mem>>)
    %mul3A_421 = arith.constant 32 : i32
    %mul3A_422 = arith.muli %add3A, %mul3A_421 : i32
    %add3A_423 = arith.constant 23 : i32
    %add3A_424 = arith.addi %mul3A_422, %add3A_423 : i32
    %dma_start3A_425 = arith.constant 460 : i32
    %dma_start3A_426 = arith.constant 0 : i32
    %dma_start3A_427 = tpu.memref_slice %arg6[%dma_start3A_425, %dma_start3A_426] : memref<640x64xf32, #tpu.memory_space<vmem>> -> memref<20x64xf32, #tpu.memory_space<vmem>>
    %dma_start3A_428 = arith.constant 0 : i32
    %dma_start3A_429 = arith.constant 0 : i32
    %dma_start3A_430 = tpu.memref_slice %arg4[%add3A_424, %dma_start3A_428, %dma_start3A_429] : memref<1024x20x64xf32, #tpu.memory_space<hbm>> -> memref<1x20x64xf32, #tpu.memory_space<hbm>>
    %dma_start3A_431 = tpu.memref_squeeze %dma_start3A_430 : memref<1x20x64xf32, #tpu.memory_space<hbm>> -> memref<20x64xf32, #tpu.memory_space<hbm>>
    %dma_start3A_432 = arith.constant 0 : i32
    %dma_start3A_433 = arith.constant 0 : i32
    %dma_start3A_434 = tpu.memref_slice %arg4[%add3A_424, %dma_start3A_432, %dma_start3A_433] : memref<1024x20x64xf32, #tpu.memory_space<hbm>> -> memref<1x20x64xf32, #tpu.memory_space<hbm>>
    %dma_start3A_435 = tpu.memref_squeeze %dma_start3A_434 : memref<1x20x64xf32, #tpu.memory_space<hbm>> -> memref<20x64xf32, #tpu.memory_space<hbm>>
    %dma_start3A_436 = arith.constant 460 : i32
    %dma_start3A_437 = arith.constant 0 : i32
    %dma_start3A_438 = tpu.memref_slice %arg6[%dma_start3A_436, %dma_start3A_437] : memref<640x64xf32, #tpu.memory_space<vmem>> -> memref<20x64xf32, #tpu.memory_space<vmem>>
    tpu.enqueue_dma source(%dma_start3A_438 : memref<20x64xf32, #tpu.memory_space<vmem>>) target(%dma_start3A_435 : memref<20x64xf32, #tpu.memory_space<hbm>>) target_semaphore(%arg8 : memref<!tpu.dma_semaphore, #tpu.memory_space<semaphore_mem>>)
    %mul3A_439 = arith.constant 32 : i32
    %mul3A_440 = arith.muli %add3A, %mul3A_439 : i32
    %add3A_441 = arith.constant 24 : i32
    %add3A_442 = arith.addi %mul3A_440, %add3A_441 : i32
    %dma_start3A_443 = arith.constant 480 : i32
    %dma_start3A_444 = arith.constant 0 : i32
    %dma_start3A_445 = tpu.memref_slice %arg6[%dma_start3A_443, %dma_start3A_444] : memref<640x64xf32, #tpu.memory_space<vmem>> -> memref<20x64xf32, #tpu.memory_space<vmem>>
    %dma_start3A_446 = arith.constant 0 : i32
    %dma_start3A_447 = arith.constant 0 : i32
    %dma_start3A_448 = tpu.memref_slice %arg4[%add3A_442, %dma_start3A_446, %dma_start3A_447] : memref<1024x20x64xf32, #tpu.memory_space<hbm>> -> memref<1x20x64xf32, #tpu.memory_space<hbm>>
    %dma_start3A_449 = tpu.memref_squeeze %dma_start3A_448 : memref<1x20x64xf32, #tpu.memory_space<hbm>> -> memref<20x64xf32, #tpu.memory_space<hbm>>
    %dma_start3A_450 = arith.constant 0 : i32
    %dma_start3A_451 = arith.constant 0 : i32
    %dma_start3A_452 = tpu.memref_slice %arg4[%add3A_442, %dma_start3A_450, %dma_start3A_451] : memref<1024x20x64xf32, #tpu.memory_space<hbm>> -> memref<1x20x64xf32, #tpu.memory_space<hbm>>
    %dma_start3A_453 = tpu.memref_squeeze %dma_start3A_452 : memref<1x20x64xf32, #tpu.memory_space<hbm>> -> memref<20x64xf32, #tpu.memory_space<hbm>>
    %dma_start3A_454 = arith.constant 480 : i32
    %dma_start3A_455 = arith.constant 0 : i32
    %dma_start3A_456 = tpu.memref_slice %arg6[%dma_start3A_454, %dma_start3A_455] : memref<640x64xf32, #tpu.memory_space<vmem>> -> memref<20x64xf32, #tpu.memory_space<vmem>>
    tpu.enqueue_dma source(%dma_start3A_456 : memref<20x64xf32, #tpu.memory_space<vmem>>) target(%dma_start3A_453 : memref<20x64xf32, #tpu.memory_space<hbm>>) target_semaphore(%arg8 : memref<!tpu.dma_semaphore, #tpu.memory_space<semaphore_mem>>)
    %mul3A_457 = arith.constant 32 : i32
    %mul3A_458 = arith.muli %add3A, %mul3A_457 : i32
    %add3A_459 = arith.constant 25 : i32
    %add3A_460 = arith.addi %mul3A_458, %add3A_459 : i32
    %dma_start3A_461 = arith.constant 500 : i32
    %dma_start3A_462 = arith.constant 0 : i32
    %dma_start3A_463 = tpu.memref_slice %arg6[%dma_start3A_461, %dma_start3A_462] : memref<640x64xf32, #tpu.memory_space<vmem>> -> memref<20x64xf32, #tpu.memory_space<vmem>>
    %dma_start3A_464 = arith.constant 0 : i32
    %dma_start3A_465 = arith.constant 0 : i32
    %dma_start3A_466 = tpu.memref_slice %arg4[%add3A_460, %dma_start3A_464, %dma_start3A_465] : memref<1024x20x64xf32, #tpu.memory_space<hbm>> -> memref<1x20x64xf32, #tpu.memory_space<hbm>>
    %dma_start3A_467 = tpu.memref_squeeze %dma_start3A_466 : memref<1x20x64xf32, #tpu.memory_space<hbm>> -> memref<20x64xf32, #tpu.memory_space<hbm>>
    %dma_start3A_468 = arith.constant 0 : i32
    %dma_start3A_469 = arith.constant 0 : i32
    %dma_start3A_470 = tpu.memref_slice %arg4[%add3A_460, %dma_start3A_468, %dma_start3A_469] : memref<1024x20x64xf32, #tpu.memory_space<hbm>> -> memref<1x20x64xf32, #tpu.memory_space<hbm>>
    %dma_start3A_471 = tpu.memref_squeeze %dma_start3A_470 : memref<1x20x64xf32, #tpu.memory_space<hbm>> -> memref<20x64xf32, #tpu.memory_space<hbm>>
    %dma_start3A_472 = arith.constant 500 : i32
    %dma_start3A_473 = arith.constant 0 : i32
    %dma_start3A_474 = tpu.memref_slice %arg6[%dma_start3A_472, %dma_start3A_473] : memref<640x64xf32, #tpu.memory_space<vmem>> -> memref<20x64xf32, #tpu.memory_space<vmem>>
    tpu.enqueue_dma source(%dma_start3A_474 : memref<20x64xf32, #tpu.memory_space<vmem>>) target(%dma_start3A_471 : memref<20x64xf32, #tpu.memory_space<hbm>>) target_semaphore(%arg8 : memref<!tpu.dma_semaphore, #tpu.memory_space<semaphore_mem>>)
    %mul3A_475 = arith.constant 32 : i32
    %mul3A_476 = arith.muli %add3A, %mul3A_475 : i32
    %add3A_477 = arith.constant 26 : i32
    %add3A_478 = arith.addi %mul3A_476, %add3A_477 : i32
    %dma_start3A_479 = arith.constant 520 : i32
    %dma_start3A_480 = arith.constant 0 : i32
    %dma_start3A_481 = tpu.memref_slice %arg6[%dma_start3A_479, %dma_start3A_480] : memref<640x64xf32, #tpu.memory_space<vmem>> -> memref<20x64xf32, #tpu.memory_space<vmem>>
    %dma_start3A_482 = arith.constant 0 : i32
    %dma_start3A_483 = arith.constant 0 : i32
    %dma_start3A_484 = tpu.memref_slice %arg4[%add3A_478, %dma_start3A_482, %dma_start3A_483] : memref<1024x20x64xf32, #tpu.memory_space<hbm>> -> memref<1x20x64xf32, #tpu.memory_space<hbm>>
    %dma_start3A_485 = tpu.memref_squeeze %dma_start3A_484 : memref<1x20x64xf32, #tpu.memory_space<hbm>> -> memref<20x64xf32, #tpu.memory_space<hbm>>
    %dma_start3A_486 = arith.constant 0 : i32
    %dma_start3A_487 = arith.constant 0 : i32
    %dma_start3A_488 = tpu.memref_slice %arg4[%add3A_478, %dma_start3A_486, %dma_start3A_487] : memref<1024x20x64xf32, #tpu.memory_space<hbm>> -> memref<1x20x64xf32, #tpu.memory_space<hbm>>
    %dma_start3A_489 = tpu.memref_squeeze %dma_start3A_488 : memref<1x20x64xf32, #tpu.memory_space<hbm>> -> memref<20x64xf32, #tpu.memory_space<hbm>>
    %dma_start3A_490 = arith.constant 520 : i32
    %dma_start3A_491 = arith.constant 0 : i32
    %dma_start3A_492 = tpu.memref_slice %arg6[%dma_start3A_490, %dma_start3A_491] : memref<640x64xf32, #tpu.memory_space<vmem>> -> memref<20x64xf32, #tpu.memory_space<vmem>>
    tpu.enqueue_dma source(%dma_start3A_492 : memref<20x64xf32, #tpu.memory_space<vmem>>) target(%dma_start3A_489 : memref<20x64xf32, #tpu.memory_space<hbm>>) target_semaphore(%arg8 : memref<!tpu.dma_semaphore, #tpu.memory_space<semaphore_mem>>)
    %mul3A_493 = arith.constant 32 : i32
    %mul3A_494 = arith.muli %add3A, %mul3A_493 : i32
    %add3A_495 = arith.constant 27 : i32
    %add3A_496 = arith.addi %mul3A_494, %add3A_495 : i32
    %dma_start3A_497 = arith.constant 540 : i32
    %dma_start3A_498 = arith.constant 0 : i32
    %dma_start3A_499 = tpu.memref_slice %arg6[%dma_start3A_497, %dma_start3A_498] : memref<640x64xf32, #tpu.memory_space<vmem>> -> memref<20x64xf32, #tpu.memory_space<vmem>>
    %dma_start3A_500 = arith.constant 0 : i32
    %dma_start3A_501 = arith.constant 0 : i32
    %dma_start3A_502 = tpu.memref_slice %arg4[%add3A_496, %dma_start3A_500, %dma_start3A_501] : memref<1024x20x64xf32, #tpu.memory_space<hbm>> -> memref<1x20x64xf32, #tpu.memory_space<hbm>>
    %dma_start3A_503 = tpu.memref_squeeze %dma_start3A_502 : memref<1x20x64xf32, #tpu.memory_space<hbm>> -> memref<20x64xf32, #tpu.memory_space<hbm>>
    %dma_start3A_504 = arith.constant 0 : i32
    %dma_start3A_505 = arith.constant 0 : i32
    %dma_start3A_506 = tpu.memref_slice %arg4[%add3A_496, %dma_start3A_504, %dma_start3A_505] : memref<1024x20x64xf32, #tpu.memory_space<hbm>> -> memref<1x20x64xf32, #tpu.memory_space<hbm>>
    %dma_start3A_507 = tpu.memref_squeeze %dma_start3A_506 : memref<1x20x64xf32, #tpu.memory_space<hbm>> -> memref<20x64xf32, #tpu.memory_space<hbm>>
    %dma_start3A_508 = arith.constant 540 : i32
    %dma_start3A_509 = arith.constant 0 : i32
    %dma_start3A_510 = tpu.memref_slice %arg6[%dma_start3A_508, %dma_start3A_509] : memref<640x64xf32, #tpu.memory_space<vmem>> -> memref<20x64xf32, #tpu.memory_space<vmem>>
    tpu.enqueue_dma source(%dma_start3A_510 : memref<20x64xf32, #tpu.memory_space<vmem>>) target(%dma_start3A_507 : memref<20x64xf32, #tpu.memory_space<hbm>>) target_semaphore(%arg8 : memref<!tpu.dma_semaphore, #tpu.memory_space<semaphore_mem>>)
    %mul3A_511 = arith.constant 32 : i32
    %mul3A_512 = arith.muli %add3A, %mul3A_511 : i32
    %add3A_513 = arith.constant 28 : i32
    %add3A_514 = arith.addi %mul3A_512, %add3A_513 : i32
    %dma_start3A_515 = arith.constant 560 : i32
    %dma_start3A_516 = arith.constant 0 : i32
    %dma_start3A_517 = tpu.memref_slice %arg6[%dma_start3A_515, %dma_start3A_516] : memref<640x64xf32, #tpu.memory_space<vmem>> -> memref<20x64xf32, #tpu.memory_space<vmem>>
    %dma_start3A_518 = arith.constant 0 : i32
    %dma_start3A_519 = arith.constant 0 : i32
    %dma_start3A_520 = tpu.memref_slice %arg4[%add3A_514, %dma_start3A_518, %dma_start3A_519] : memref<1024x20x64xf32, #tpu.memory_space<hbm>> -> memref<1x20x64xf32, #tpu.memory_space<hbm>>
    %dma_start3A_521 = tpu.memref_squeeze %dma_start3A_520 : memref<1x20x64xf32, #tpu.memory_space<hbm>> -> memref<20x64xf32, #tpu.memory_space<hbm>>
    %dma_start3A_522 = arith.constant 0 : i32
    %dma_start3A_523 = arith.constant 0 : i32
    %dma_start3A_524 = tpu.memref_slice %arg4[%add3A_514, %dma_start3A_522, %dma_start3A_523] : memref<1024x20x64xf32, #tpu.memory_space<hbm>> -> memref<1x20x64xf32, #tpu.memory_space<hbm>>
    %dma_start3A_525 = tpu.memref_squeeze %dma_start3A_524 : memref<1x20x64xf32, #tpu.memory_space<hbm>> -> memref<20x64xf32, #tpu.memory_space<hbm>>
    %dma_start3A_526 = arith.constant 560 : i32
    %dma_start3A_527 = arith.constant 0 : i32
    %dma_start3A_528 = tpu.memref_slice %arg6[%dma_start3A_526, %dma_start3A_527] : memref<640x64xf32, #tpu.memory_space<vmem>> -> memref<20x64xf32, #tpu.memory_space<vmem>>
    tpu.enqueue_dma source(%dma_start3A_528 : memref<20x64xf32, #tpu.memory_space<vmem>>) target(%dma_start3A_525 : memref<20x64xf32, #tpu.memory_space<hbm>>) target_semaphore(%arg8 : memref<!tpu.dma_semaphore, #tpu.memory_space<semaphore_mem>>)
    %mul3A_529 = arith.constant 32 : i32
    %mul3A_530 = arith.muli %add3A, %mul3A_529 : i32
    %add3A_531 = arith.constant 29 : i32
    %add3A_532 = arith.addi %mul3A_530, %add3A_531 : i32
    %dma_start3A_533 = arith.constant 580 : i32
    %dma_start3A_534 = arith.constant 0 : i32
    %dma_start3A_535 = tpu.memref_slice %arg6[%dma_start3A_533, %dma_start3A_534] : memref<640x64xf32, #tpu.memory_space<vmem>> -> memref<20x64xf32, #tpu.memory_space<vmem>>
    %dma_start3A_536 = arith.constant 0 : i32
    %dma_start3A_537 = arith.constant 0 : i32
    %dma_start3A_538 = tpu.memref_slice %arg4[%add3A_532, %dma_start3A_536, %dma_start3A_537] : memref<1024x20x64xf32, #tpu.memory_space<hbm>> -> memref<1x20x64xf32, #tpu.memory_space<hbm>>
    %dma_start3A_539 = tpu.memref_squeeze %dma_start3A_538 : memref<1x20x64xf32, #tpu.memory_space<hbm>> -> memref<20x64xf32, #tpu.memory_space<hbm>>
    %dma_start3A_540 = arith.constant 0 : i32
    %dma_start3A_541 = arith.constant 0 : i32
    %dma_start3A_542 = tpu.memref_slice %arg4[%add3A_532, %dma_start3A_540, %dma_start3A_541] : memref<1024x20x64xf32, #tpu.memory_space<hbm>> -> memref<1x20x64xf32, #tpu.memory_space<hbm>>
    %dma_start3A_543 = tpu.memref_squeeze %dma_start3A_542 : memref<1x20x64xf32, #tpu.memory_space<hbm>> -> memref<20x64xf32, #tpu.memory_space<hbm>>
    %dma_start3A_544 = arith.constant 580 : i32
    %dma_start3A_545 = arith.constant 0 : i32
    %dma_start3A_546 = tpu.memref_slice %arg6[%dma_start3A_544, %dma_start3A_545] : memref<640x64xf32, #tpu.memory_space<vmem>> -> memref<20x64xf32, #tpu.memory_space<vmem>>
    tpu.enqueue_dma source(%dma_start3A_546 : memref<20x64xf32, #tpu.memory_space<vmem>>) target(%dma_start3A_543 : memref<20x64xf32, #tpu.memory_space<hbm>>) target_semaphore(%arg8 : memref<!tpu.dma_semaphore, #tpu.memory_space<semaphore_mem>>)
    %mul3A_547 = arith.constant 32 : i32
    %mul3A_548 = arith.muli %add3A, %mul3A_547 : i32
    %add3A_549 = arith.constant 30 : i32
    %add3A_550 = arith.addi %mul3A_548, %add3A_549 : i32
    %dma_start3A_551 = arith.constant 600 : i32
    %dma_start3A_552 = arith.constant 0 : i32
    %dma_start3A_553 = tpu.memref_slice %arg6[%dma_start3A_551, %dma_start3A_552] : memref<640x64xf32, #tpu.memory_space<vmem>> -> memref<20x64xf32, #tpu.memory_space<vmem>>
    %dma_start3A_554 = arith.constant 0 : i32
    %dma_start3A_555 = arith.constant 0 : i32
    %dma_start3A_556 = tpu.memref_slice %arg4[%add3A_550, %dma_start3A_554, %dma_start3A_555] : memref<1024x20x64xf32, #tpu.memory_space<hbm>> -> memref<1x20x64xf32, #tpu.memory_space<hbm>>
    %dma_start3A_557 = tpu.memref_squeeze %dma_start3A_556 : memref<1x20x64xf32, #tpu.memory_space<hbm>> -> memref<20x64xf32, #tpu.memory_space<hbm>>
    %dma_start3A_558 = arith.constant 0 : i32
    %dma_start3A_559 = arith.constant 0 : i32
    %dma_start3A_560 = tpu.memref_slice %arg4[%add3A_550, %dma_start3A_558, %dma_start3A_559] : memref<1024x20x64xf32, #tpu.memory_space<hbm>> -> memref<1x20x64xf32, #tpu.memory_space<hbm>>
    %dma_start3A_561 = tpu.memref_squeeze %dma_start3A_560 : memref<1x20x64xf32, #tpu.memory_space<hbm>> -> memref<20x64xf32, #tpu.memory_space<hbm>>
    %dma_start3A_562 = arith.constant 600 : i32
    %dma_start3A_563 = arith.constant 0 : i32
    %dma_start3A_564 = tpu.memref_slice %arg6[%dma_start3A_562, %dma_start3A_563] : memref<640x64xf32, #tpu.memory_space<vmem>> -> memref<20x64xf32, #tpu.memory_space<vmem>>
    tpu.enqueue_dma source(%dma_start3A_564 : memref<20x64xf32, #tpu.memory_space<vmem>>) target(%dma_start3A_561 : memref<20x64xf32, #tpu.memory_space<hbm>>) target_semaphore(%arg8 : memref<!tpu.dma_semaphore, #tpu.memory_space<semaphore_mem>>)
    %mul3A_565 = arith.constant 32 : i32
    %mul3A_566 = arith.muli %add3A, %mul3A_565 : i32
    %add3A_567 = arith.constant 31 : i32
    %add3A_568 = arith.addi %mul3A_566, %add3A_567 : i32
    %dma_start3A_569 = arith.constant 620 : i32
    %dma_start3A_570 = arith.constant 0 : i32
    %dma_start3A_571 = tpu.memref_slice %arg6[%dma_start3A_569, %dma_start3A_570] : memref<640x64xf32, #tpu.memory_space<vmem>> -> memref<20x64xf32, #tpu.memory_space<vmem>>
    %dma_start3A_572 = arith.constant 0 : i32
    %dma_start3A_573 = arith.constant 0 : i32
    %dma_start3A_574 = tpu.memref_slice %arg4[%add3A_568, %dma_start3A_572, %dma_start3A_573] : memref<1024x20x64xf32, #tpu.memory_space<hbm>> -> memref<1x20x64xf32, #tpu.memory_space<hbm>>
    %dma_start3A_575 = tpu.memref_squeeze %dma_start3A_574 : memref<1x20x64xf32, #tpu.memory_space<hbm>> -> memref<20x64xf32, #tpu.memory_space<hbm>>
    %dma_start3A_576 = arith.constant 0 : i32
    %dma_start3A_577 = arith.constant 0 : i32
    %dma_start3A_578 = tpu.memref_slice %arg4[%add3A_568, %dma_start3A_576, %dma_start3A_577] : memref<1024x20x64xf32, #tpu.memory_space<hbm>> -> memref<1x20x64xf32, #tpu.memory_space<hbm>>
    %dma_start3A_579 = tpu.memref_squeeze %dma_start3A_578 : memref<1x20x64xf32, #tpu.memory_space<hbm>> -> memref<20x64xf32, #tpu.memory_space<hbm>>
    %dma_start3A_580 = arith.constant 620 : i32
    %dma_start3A_581 = arith.constant 0 : i32
    %dma_start3A_582 = tpu.memref_slice %arg6[%dma_start3A_580, %dma_start3A_581] : memref<640x64xf32, #tpu.memory_space<vmem>> -> memref<20x64xf32, #tpu.memory_space<vmem>>
    tpu.enqueue_dma source(%dma_start3A_582 : memref<20x64xf32, #tpu.memory_space<vmem>>) target(%dma_start3A_579 : memref<20x64xf32, #tpu.memory_space<hbm>>) target_semaphore(%arg8 : memref<!tpu.dma_semaphore, #tpu.memory_space<semaphore_mem>>)
    %dma_wait3A_583 = arith.constant 0 : i32
    %dma_wait3A_584 = arith.constant 0 : i32
    %dma_wait3A_585 = tpu.memref_slice %arg6[%dma_wait3A_583, %dma_wait3A_584] : memref<640x64xf32, #tpu.memory_space<vmem>> -> memref<20x64xf32, #tpu.memory_space<vmem>>
    %dma_wait3A_586 = arith.constant 0 : i32
    %dma_wait3A_587 = arith.constant 0 : i32
    %dma_wait3A_588 = tpu.memref_slice %arg4[%add3A_10, %dma_wait3A_586, %dma_wait3A_587] : memref<1024x20x64xf32, #tpu.memory_space<hbm>> -> memref<1x20x64xf32, #tpu.memory_space<hbm>>
    %dma_wait3A_589 = tpu.memref_squeeze %dma_wait3A_588 : memref<1x20x64xf32, #tpu.memory_space<hbm>> -> memref<20x64xf32, #tpu.memory_space<hbm>>
    %dma_wait3A_590 = arith.constant 0 : i32
    %dma_wait3A_591 = arith.constant 0 : i32
    %dma_wait3A_592 = tpu.memref_slice %arg4[%add3A_10, %dma_wait3A_590, %dma_wait3A_591] : memref<1024x20x64xf32, #tpu.memory_space<hbm>> -> memref<1x20x64xf32, #tpu.memory_space<hbm>>
    %dma_wait3A_593 = tpu.memref_squeeze %dma_wait3A_592 : memref<1x20x64xf32, #tpu.memory_space<hbm>> -> memref<20x64xf32, #tpu.memory_space<hbm>>
    %dma_wait3A_594 = arith.constant 0 : i32
    %dma_wait3A_595 = arith.constant 0 : i32
    %dma_wait3A_596 = tpu.memref_slice %arg6[%dma_wait3A_594, %dma_wait3A_595] : memref<640x64xf32, #tpu.memory_space<vmem>> -> memref<20x64xf32, #tpu.memory_space<vmem>>
    tpu.wait_dma2 semaphore(%arg8 : memref<!tpu.dma_semaphore, #tpu.memory_space<semaphore_mem>>) src(%dma_wait3A_596 : memref<20x64xf32, #tpu.memory_space<vmem>>) dst(%dma_wait3A_593 : memref<20x64xf32, #tpu.memory_space<hbm>>)
    %dma_wait3A_597 = arith.constant 20 : i32
    %dma_wait3A_598 = arith.constant 0 : i32
    %dma_wait3A_599 = tpu.memref_slice %arg6[%dma_wait3A_597, %dma_wait3A_598] : memref<640x64xf32, #tpu.memory_space<vmem>> -> memref<20x64xf32, #tpu.memory_space<vmem>>
    %dma_wait3A_600 = arith.constant 0 : i32
    %dma_wait3A_601 = arith.constant 0 : i32
    %dma_wait3A_602 = tpu.memref_slice %arg4[%add3A_28, %dma_wait3A_600, %dma_wait3A_601] : memref<1024x20x64xf32, #tpu.memory_space<hbm>> -> memref<1x20x64xf32, #tpu.memory_space<hbm>>
    %dma_wait3A_603 = tpu.memref_squeeze %dma_wait3A_602 : memref<1x20x64xf32, #tpu.memory_space<hbm>> -> memref<20x64xf32, #tpu.memory_space<hbm>>
    %dma_wait3A_604 = arith.constant 0 : i32
    %dma_wait3A_605 = arith.constant 0 : i32
    %dma_wait3A_606 = tpu.memref_slice %arg4[%add3A_28, %dma_wait3A_604, %dma_wait3A_605] : memref<1024x20x64xf32, #tpu.memory_space<hbm>> -> memref<1x20x64xf32, #tpu.memory_space<hbm>>
    %dma_wait3A_607 = tpu.memref_squeeze %dma_wait3A_606 : memref<1x20x64xf32, #tpu.memory_space<hbm>> -> memref<20x64xf32, #tpu.memory_space<hbm>>
    %dma_wait3A_608 = arith.constant 20 : i32
    %dma_wait3A_609 = arith.constant 0 : i32
    %dma_wait3A_610 = tpu.memref_slice %arg6[%dma_wait3A_608, %dma_wait3A_609] : memref<640x64xf32, #tpu.memory_space<vmem>> -> memref<20x64xf32, #tpu.memory_space<vmem>>
    tpu.wait_dma2 semaphore(%arg8 : memref<!tpu.dma_semaphore, #tpu.memory_space<semaphore_mem>>) src(%dma_wait3A_610 : memref<20x64xf32, #tpu.memory_space<vmem>>) dst(%dma_wait3A_607 : memref<20x64xf32, #tpu.memory_space<hbm>>)
    %dma_wait3A_611 = arith.constant 40 : i32
    %dma_wait3A_612 = arith.constant 0 : i32
    %dma_wait3A_613 = tpu.memref_slice %arg6[%dma_wait3A_611, %dma_wait3A_612] : memref<640x64xf32, #tpu.memory_space<vmem>> -> memref<20x64xf32, #tpu.memory_space<vmem>>
    %dma_wait3A_614 = arith.constant 0 : i32
    %dma_wait3A_615 = arith.constant 0 : i32
    %dma_wait3A_616 = tpu.memref_slice %arg4[%add3A_46, %dma_wait3A_614, %dma_wait3A_615] : memref<1024x20x64xf32, #tpu.memory_space<hbm>> -> memref<1x20x64xf32, #tpu.memory_space<hbm>>
    %dma_wait3A_617 = tpu.memref_squeeze %dma_wait3A_616 : memref<1x20x64xf32, #tpu.memory_space<hbm>> -> memref<20x64xf32, #tpu.memory_space<hbm>>
    %dma_wait3A_618 = arith.constant 0 : i32
    %dma_wait3A_619 = arith.constant 0 : i32
    %dma_wait3A_620 = tpu.memref_slice %arg4[%add3A_46, %dma_wait3A_618, %dma_wait3A_619] : memref<1024x20x64xf32, #tpu.memory_space<hbm>> -> memref<1x20x64xf32, #tpu.memory_space<hbm>>
    %dma_wait3A_621 = tpu.memref_squeeze %dma_wait3A_620 : memref<1x20x64xf32, #tpu.memory_space<hbm>> -> memref<20x64xf32, #tpu.memory_space<hbm>>
    %dma_wait3A_622 = arith.constant 40 : i32
    %dma_wait3A_623 = arith.constant 0 : i32
    %dma_wait3A_624 = tpu.memref_slice %arg6[%dma_wait3A_622, %dma_wait3A_623] : memref<640x64xf32, #tpu.memory_space<vmem>> -> memref<20x64xf32, #tpu.memory_space<vmem>>
    tpu.wait_dma2 semaphore(%arg8 : memref<!tpu.dma_semaphore, #tpu.memory_space<semaphore_mem>>) src(%dma_wait3A_624 : memref<20x64xf32, #tpu.memory_space<vmem>>) dst(%dma_wait3A_621 : memref<20x64xf32, #tpu.memory_space<hbm>>)
    %dma_wait3A_625 = arith.constant 60 : i32
    %dma_wait3A_626 = arith.constant 0 : i32
    %dma_wait3A_627 = tpu.memref_slice %arg6[%dma_wait3A_625, %dma_wait3A_626] : memref<640x64xf32, #tpu.memory_space<vmem>> -> memref<20x64xf32, #tpu.memory_space<vmem>>
    %dma_wait3A_628 = arith.constant 0 : i32
    %dma_wait3A_629 = arith.constant 0 : i32
    %dma_wait3A_630 = tpu.memref_slice %arg4[%add3A_64, %dma_wait3A_628, %dma_wait3A_629] : memref<1024x20x64xf32, #tpu.memory_space<hbm>> -> memref<1x20x64xf32, #tpu.memory_space<hbm>>
    %dma_wait3A_631 = tpu.memref_squeeze %dma_wait3A_630 : memref<1x20x64xf32, #tpu.memory_space<hbm>> -> memref<20x64xf32, #tpu.memory_space<hbm>>
    %dma_wait3A_632 = arith.constant 0 : i32
    %dma_wait3A_633 = arith.constant 0 : i32
    %dma_wait3A_634 = tpu.memref_slice %arg4[%add3A_64, %dma_wait3A_632, %dma_wait3A_633] : memref<1024x20x64xf32, #tpu.memory_space<hbm>> -> memref<1x20x64xf32, #tpu.memory_space<hbm>>
    %dma_wait3A_635 = tpu.memref_squeeze %dma_wait3A_634 : memref<1x20x64xf32, #tpu.memory_space<hbm>> -> memref<20x64xf32, #tpu.memory_space<hbm>>
    %dma_wait3A_636 = arith.constant 60 : i32
    %dma_wait3A_637 = arith.constant 0 : i32
    %dma_wait3A_638 = tpu.memref_slice %arg6[%dma_wait3A_636, %dma_wait3A_637] : memref<640x64xf32, #tpu.memory_space<vmem>> -> memref<20x64xf32, #tpu.memory_space<vmem>>
    tpu.wait_dma2 semaphore(%arg8 : memref<!tpu.dma_semaphore, #tpu.memory_space<semaphore_mem>>) src(%dma_wait3A_638 : memref<20x64xf32, #tpu.memory_space<vmem>>) dst(%dma_wait3A_635 : memref<20x64xf32, #tpu.memory_space<hbm>>)
    %dma_wait3A_639 = arith.constant 80 : i32
    %dma_wait3A_640 = arith.constant 0 : i32
    %dma_wait3A_641 = tpu.memref_slice %arg6[%dma_wait3A_639, %dma_wait3A_640] : memref<640x64xf32, #tpu.memory_space<vmem>> -> memref<20x64xf32, #tpu.memory_space<vmem>>
    %dma_wait3A_642 = arith.constant 0 : i32
    %dma_wait3A_643 = arith.constant 0 : i32
    %dma_wait3A_644 = tpu.memref_slice %arg4[%add3A_82, %dma_wait3A_642, %dma_wait3A_643] : memref<1024x20x64xf32, #tpu.memory_space<hbm>> -> memref<1x20x64xf32, #tpu.memory_space<hbm>>
    %dma_wait3A_645 = tpu.memref_squeeze %dma_wait3A_644 : memref<1x20x64xf32, #tpu.memory_space<hbm>> -> memref<20x64xf32, #tpu.memory_space<hbm>>
    %dma_wait3A_646 = arith.constant 0 : i32
    %dma_wait3A_647 = arith.constant 0 : i32
    %dma_wait3A_648 = tpu.memref_slice %arg4[%add3A_82, %dma_wait3A_646, %dma_wait3A_647] : memref<1024x20x64xf32, #tpu.memory_space<hbm>> -> memref<1x20x64xf32, #tpu.memory_space<hbm>>
    %dma_wait3A_649 = tpu.memref_squeeze %dma_wait3A_648 : memref<1x20x64xf32, #tpu.memory_space<hbm>> -> memref<20x64xf32, #tpu.memory_space<hbm>>
    %dma_wait3A_650 = arith.constant 80 : i32
    %dma_wait3A_651 = arith.constant 0 : i32
    %dma_wait3A_652 = tpu.memref_slice %arg6[%dma_wait3A_650, %dma_wait3A_651] : memref<640x64xf32, #tpu.memory_space<vmem>> -> memref<20x64xf32, #tpu.memory_space<vmem>>
    tpu.wait_dma2 semaphore(%arg8 : memref<!tpu.dma_semaphore, #tpu.memory_space<semaphore_mem>>) src(%dma_wait3A_652 : memref<20x64xf32, #tpu.memory_space<vmem>>) dst(%dma_wait3A_649 : memref<20x64xf32, #tpu.memory_space<hbm>>)
    %dma_wait3A_653 = arith.constant 100 : i32
    %dma_wait3A_654 = arith.constant 0 : i32
    %dma_wait3A_655 = tpu.memref_slice %arg6[%dma_wait3A_653, %dma_wait3A_654] : memref<640x64xf32, #tpu.memory_space<vmem>> -> memref<20x64xf32, #tpu.memory_space<vmem>>
    %dma_wait3A_656 = arith.constant 0 : i32
    %dma_wait3A_657 = arith.constant 0 : i32
    %dma_wait3A_658 = tpu.memref_slice %arg4[%add3A_100, %dma_wait3A_656, %dma_wait3A_657] : memref<1024x20x64xf32, #tpu.memory_space<hbm>> -> memref<1x20x64xf32, #tpu.memory_space<hbm>>
    %dma_wait3A_659 = tpu.memref_squeeze %dma_wait3A_658 : memref<1x20x64xf32, #tpu.memory_space<hbm>> -> memref<20x64xf32, #tpu.memory_space<hbm>>
    %dma_wait3A_660 = arith.constant 0 : i32
    %dma_wait3A_661 = arith.constant 0 : i32
    %dma_wait3A_662 = tpu.memref_slice %arg4[%add3A_100, %dma_wait3A_660, %dma_wait3A_661] : memref<1024x20x64xf32, #tpu.memory_space<hbm>> -> memref<1x20x64xf32, #tpu.memory_space<hbm>>
    %dma_wait3A_663 = tpu.memref_squeeze %dma_wait3A_662 : memref<1x20x64xf32, #tpu.memory_space<hbm>> -> memref<20x64xf32, #tpu.memory_space<hbm>>
    %dma_wait3A_664 = arith.constant 100 : i32
    %dma_wait3A_665 = arith.constant 0 : i32
    %dma_wait3A_666 = tpu.memref_slice %arg6[%dma_wait3A_664, %dma_wait3A_665] : memref<640x64xf32, #tpu.memory_space<vmem>> -> memref<20x64xf32, #tpu.memory_space<vmem>>
    tpu.wait_dma2 semaphore(%arg8 : memref<!tpu.dma_semaphore, #tpu.memory_space<semaphore_mem>>) src(%dma_wait3A_666 : memref<20x64xf32, #tpu.memory_space<vmem>>) dst(%dma_wait3A_663 : memref<20x64xf32, #tpu.memory_space<hbm>>)
    %dma_wait3A_667 = arith.constant 120 : i32
    %dma_wait3A_668 = arith.constant 0 : i32
    %dma_wait3A_669 = tpu.memref_slice %arg6[%dma_wait3A_667, %dma_wait3A_668] : memref<640x64xf32, #tpu.memory_space<vmem>> -> memref<20x64xf32, #tpu.memory_space<vmem>>
    %dma_wait3A_670 = arith.constant 0 : i32
    %dma_wait3A_671 = arith.constant 0 : i32
    %dma_wait3A_672 = tpu.memref_slice %arg4[%add3A_118, %dma_wait3A_670, %dma_wait3A_671] : memref<1024x20x64xf32, #tpu.memory_space<hbm>> -> memref<1x20x64xf32, #tpu.memory_space<hbm>>
    %dma_wait3A_673 = tpu.memref_squeeze %dma_wait3A_672 : memref<1x20x64xf32, #tpu.memory_space<hbm>> -> memref<20x64xf32, #tpu.memory_space<hbm>>
    %dma_wait3A_674 = arith.constant 0 : i32
    %dma_wait3A_675 = arith.constant 0 : i32
    %dma_wait3A_676 = tpu.memref_slice %arg4[%add3A_118, %dma_wait3A_674, %dma_wait3A_675] : memref<1024x20x64xf32, #tpu.memory_space<hbm>> -> memref<1x20x64xf32, #tpu.memory_space<hbm>>
    %dma_wait3A_677 = tpu.memref_squeeze %dma_wait3A_676 : memref<1x20x64xf32, #tpu.memory_space<hbm>> -> memref<20x64xf32, #tpu.memory_space<hbm>>
    %dma_wait3A_678 = arith.constant 120 : i32
    %dma_wait3A_679 = arith.constant 0 : i32
    %dma_wait3A_680 = tpu.memref_slice %arg6[%dma_wait3A_678, %dma_wait3A_679] : memref<640x64xf32, #tpu.memory_space<vmem>> -> memref<20x64xf32, #tpu.memory_space<vmem>>
    tpu.wait_dma2 semaphore(%arg8 : memref<!tpu.dma_semaphore, #tpu.memory_space<semaphore_mem>>) src(%dma_wait3A_680 : memref<20x64xf32, #tpu.memory_space<vmem>>) dst(%dma_wait3A_677 : memref<20x64xf32, #tpu.memory_space<hbm>>)
    %dma_wait3A_681 = arith.constant 140 : i32
    %dma_wait3A_682 = arith.constant 0 : i32
    %dma_wait3A_683 = tpu.memref_slice %arg6[%dma_wait3A_681, %dma_wait3A_682] : memref<640x64xf32, #tpu.memory_space<vmem>> -> memref<20x64xf32, #tpu.memory_space<vmem>>
    %dma_wait3A_684 = arith.constant 0 : i32
    %dma_wait3A_685 = arith.constant 0 : i32
    %dma_wait3A_686 = tpu.memref_slice %arg4[%add3A_136, %dma_wait3A_684, %dma_wait3A_685] : memref<1024x20x64xf32, #tpu.memory_space<hbm>> -> memref<1x20x64xf32, #tpu.memory_space<hbm>>
    %dma_wait3A_687 = tpu.memref_squeeze %dma_wait3A_686 : memref<1x20x64xf32, #tpu.memory_space<hbm>> -> memref<20x64xf32, #tpu.memory_space<hbm>>
    %dma_wait3A_688 = arith.constant 0 : i32
    %dma_wait3A_689 = arith.constant 0 : i32
    %dma_wait3A_690 = tpu.memref_slice %arg4[%add3A_136, %dma_wait3A_688, %dma_wait3A_689] : memref<1024x20x64xf32, #tpu.memory_space<hbm>> -> memref<1x20x64xf32, #tpu.memory_space<hbm>>
    %dma_wait3A_691 = tpu.memref_squeeze %dma_wait3A_690 : memref<1x20x64xf32, #tpu.memory_space<hbm>> -> memref<20x64xf32, #tpu.memory_space<hbm>>
    %dma_wait3A_692 = arith.constant 140 : i32
    %dma_wait3A_693 = arith.constant 0 : i32
    %dma_wait3A_694 = tpu.memref_slice %arg6[%dma_wait3A_692, %dma_wait3A_693] : memref<640x64xf32, #tpu.memory_space<vmem>> -> memref<20x64xf32, #tpu.memory_space<vmem>>
    tpu.wait_dma2 semaphore(%arg8 : memref<!tpu.dma_semaphore, #tpu.memory_space<semaphore_mem>>) src(%dma_wait3A_694 : memref<20x64xf32, #tpu.memory_space<vmem>>) dst(%dma_wait3A_691 : memref<20x64xf32, #tpu.memory_space<hbm>>)
    %dma_wait3A_695 = arith.constant 160 : i32
    %dma_wait3A_696 = arith.constant 0 : i32
    %dma_wait3A_697 = tpu.memref_slice %arg6[%dma_wait3A_695, %dma_wait3A_696] : memref<640x64xf32, #tpu.memory_space<vmem>> -> memref<20x64xf32, #tpu.memory_space<vmem>>
    %dma_wait3A_698 = arith.constant 0 : i32
    %dma_wait3A_699 = arith.constant 0 : i32
    %dma_wait3A_700 = tpu.memref_slice %arg4[%add3A_154, %dma_wait3A_698, %dma_wait3A_699] : memref<1024x20x64xf32, #tpu.memory_space<hbm>> -> memref<1x20x64xf32, #tpu.memory_space<hbm>>
    %dma_wait3A_701 = tpu.memref_squeeze %dma_wait3A_700 : memref<1x20x64xf32, #tpu.memory_space<hbm>> -> memref<20x64xf32, #tpu.memory_space<hbm>>
    %dma_wait3A_702 = arith.constant 0 : i32
    %dma_wait3A_703 = arith.constant 0 : i32
    %dma_wait3A_704 = tpu.memref_slice %arg4[%add3A_154, %dma_wait3A_702, %dma_wait3A_703] : memref<1024x20x64xf32, #tpu.memory_space<hbm>> -> memref<1x20x64xf32, #tpu.memory_space<hbm>>
    %dma_wait3A_705 = tpu.memref_squeeze %dma_wait3A_704 : memref<1x20x64xf32, #tpu.memory_space<hbm>> -> memref<20x64xf32, #tpu.memory_space<hbm>>
    %dma_wait3A_706 = arith.constant 160 : i32
    %dma_wait3A_707 = arith.constant 0 : i32
    %dma_wait3A_708 = tpu.memref_slice %arg6[%dma_wait3A_706, %dma_wait3A_707] : memref<640x64xf32, #tpu.memory_space<vmem>> -> memref<20x64xf32, #tpu.memory_space<vmem>>
    tpu.wait_dma2 semaphore(%arg8 : memref<!tpu.dma_semaphore, #tpu.memory_space<semaphore_mem>>) src(%dma_wait3A_708 : memref<20x64xf32, #tpu.memory_space<vmem>>) dst(%dma_wait3A_705 : memref<20x64xf32, #tpu.memory_space<hbm>>)
    %dma_wait3A_709 = arith.constant 180 : i32
    %dma_wait3A_710 = arith.constant 0 : i32
    %dma_wait3A_711 = tpu.memref_slice %arg6[%dma_wait3A_709, %dma_wait3A_710] : memref<640x64xf32, #tpu.memory_space<vmem>> -> memref<20x64xf32, #tpu.memory_space<vmem>>
    %dma_wait3A_712 = arith.constant 0 : i32
    %dma_wait3A_713 = arith.constant 0 : i32
    %dma_wait3A_714 = tpu.memref_slice %arg4[%add3A_172, %dma_wait3A_712, %dma_wait3A_713] : memref<1024x20x64xf32, #tpu.memory_space<hbm>> -> memref<1x20x64xf32, #tpu.memory_space<hbm>>
    %dma_wait3A_715 = tpu.memref_squeeze %dma_wait3A_714 : memref<1x20x64xf32, #tpu.memory_space<hbm>> -> memref<20x64xf32, #tpu.memory_space<hbm>>
    %dma_wait3A_716 = arith.constant 0 : i32
    %dma_wait3A_717 = arith.constant 0 : i32
    %dma_wait3A_718 = tpu.memref_slice %arg4[%add3A_172, %dma_wait3A_716, %dma_wait3A_717] : memref<1024x20x64xf32, #tpu.memory_space<hbm>> -> memref<1x20x64xf32, #tpu.memory_space<hbm>>
    %dma_wait3A_719 = tpu.memref_squeeze %dma_wait3A_718 : memref<1x20x64xf32, #tpu.memory_space<hbm>> -> memref<20x64xf32, #tpu.memory_space<hbm>>
    %dma_wait3A_720 = arith.constant 180 : i32
    %dma_wait3A_721 = arith.constant 0 : i32
    %dma_wait3A_722 = tpu.memref_slice %arg6[%dma_wait3A_720, %dma_wait3A_721] : memref<640x64xf32, #tpu.memory_space<vmem>> -> memref<20x64xf32, #tpu.memory_space<vmem>>
    tpu.wait_dma2 semaphore(%arg8 : memref<!tpu.dma_semaphore, #tpu.memory_space<semaphore_mem>>) src(%dma_wait3A_722 : memref<20x64xf32, #tpu.memory_space<vmem>>) dst(%dma_wait3A_719 : memref<20x64xf32, #tpu.memory_space<hbm>>)
    %dma_wait3A_723 = arith.constant 200 : i32
    %dma_wait3A_724 = arith.constant 0 : i32
    %dma_wait3A_725 = tpu.memref_slice %arg6[%dma_wait3A_723, %dma_wait3A_724] : memref<640x64xf32, #tpu.memory_space<vmem>> -> memref<20x64xf32, #tpu.memory_space<vmem>>
    %dma_wait3A_726 = arith.constant 0 : i32
    %dma_wait3A_727 = arith.constant 0 : i32
    %dma_wait3A_728 = tpu.memref_slice %arg4[%add3A_190, %dma_wait3A_726, %dma_wait3A_727] : memref<1024x20x64xf32, #tpu.memory_space<hbm>> -> memref<1x20x64xf32, #tpu.memory_space<hbm>>
    %dma_wait3A_729 = tpu.memref_squeeze %dma_wait3A_728 : memref<1x20x64xf32, #tpu.memory_space<hbm>> -> memref<20x64xf32, #tpu.memory_space<hbm>>
    %dma_wait3A_730 = arith.constant 0 : i32
    %dma_wait3A_731 = arith.constant 0 : i32
    %dma_wait3A_732 = tpu.memref_slice %arg4[%add3A_190, %dma_wait3A_730, %dma_wait3A_731] : memref<1024x20x64xf32, #tpu.memory_space<hbm>> -> memref<1x20x64xf32, #tpu.memory_space<hbm>>
    %dma_wait3A_733 = tpu.memref_squeeze %dma_wait3A_732 : memref<1x20x64xf32, #tpu.memory_space<hbm>> -> memref<20x64xf32, #tpu.memory_space<hbm>>
    %dma_wait3A_734 = arith.constant 200 : i32
    %dma_wait3A_735 = arith.constant 0 : i32
    %dma_wait3A_736 = tpu.memref_slice %arg6[%dma_wait3A_734, %dma_wait3A_735] : memref<640x64xf32, #tpu.memory_space<vmem>> -> memref<20x64xf32, #tpu.memory_space<vmem>>
    tpu.wait_dma2 semaphore(%arg8 : memref<!tpu.dma_semaphore, #tpu.memory_space<semaphore_mem>>) src(%dma_wait3A_736 : memref<20x64xf32, #tpu.memory_space<vmem>>) dst(%dma_wait3A_733 : memref<20x64xf32, #tpu.memory_space<hbm>>)
    %dma_wait3A_737 = arith.constant 220 : i32
    %dma_wait3A_738 = arith.constant 0 : i32
    %dma_wait3A_739 = tpu.memref_slice %arg6[%dma_wait3A_737, %dma_wait3A_738] : memref<640x64xf32, #tpu.memory_space<vmem>> -> memref<20x64xf32, #tpu.memory_space<vmem>>
    %dma_wait3A_740 = arith.constant 0 : i32
    %dma_wait3A_741 = arith.constant 0 : i32
    %dma_wait3A_742 = tpu.memref_slice %arg4[%add3A_208, %dma_wait3A_740, %dma_wait3A_741] : memref<1024x20x64xf32, #tpu.memory_space<hbm>> -> memref<1x20x64xf32, #tpu.memory_space<hbm>>
    %dma_wait3A_743 = tpu.memref_squeeze %dma_wait3A_742 : memref<1x20x64xf32, #tpu.memory_space<hbm>> -> memref<20x64xf32, #tpu.memory_space<hbm>>
    %dma_wait3A_744 = arith.constant 0 : i32
    %dma_wait3A_745 = arith.constant 0 : i32
    %dma_wait3A_746 = tpu.memref_slice %arg4[%add3A_208, %dma_wait3A_744, %dma_wait3A_745] : memref<1024x20x64xf32, #tpu.memory_space<hbm>> -> memref<1x20x64xf32, #tpu.memory_space<hbm>>
    %dma_wait3A_747 = tpu.memref_squeeze %dma_wait3A_746 : memref<1x20x64xf32, #tpu.memory_space<hbm>> -> memref<20x64xf32, #tpu.memory_space<hbm>>
    %dma_wait3A_748 = arith.constant 220 : i32
    %dma_wait3A_749 = arith.constant 0 : i32
    %dma_wait3A_750 = tpu.memref_slice %arg6[%dma_wait3A_748, %dma_wait3A_749] : memref<640x64xf32, #tpu.memory_space<vmem>> -> memref<20x64xf32, #tpu.memory_space<vmem>>
    tpu.wait_dma2 semaphore(%arg8 : memref<!tpu.dma_semaphore, #tpu.memory_space<semaphore_mem>>) src(%dma_wait3A_750 : memref<20x64xf32, #tpu.memory_space<vmem>>) dst(%dma_wait3A_747 : memref<20x64xf32, #tpu.memory_space<hbm>>)
    %dma_wait3A_751 = arith.constant 240 : i32
    %dma_wait3A_752 = arith.constant 0 : i32
    %dma_wait3A_753 = tpu.memref_slice %arg6[%dma_wait3A_751, %dma_wait3A_752] : memref<640x64xf32, #tpu.memory_space<vmem>> -> memref<20x64xf32, #tpu.memory_space<vmem>>
    %dma_wait3A_754 = arith.constant 0 : i32
    %dma_wait3A_755 = arith.constant 0 : i32
    %dma_wait3A_756 = tpu.memref_slice %arg4[%add3A_226, %dma_wait3A_754, %dma_wait3A_755] : memref<1024x20x64xf32, #tpu.memory_space<hbm>> -> memref<1x20x64xf32, #tpu.memory_space<hbm>>
    %dma_wait3A_757 = tpu.memref_squeeze %dma_wait3A_756 : memref<1x20x64xf32, #tpu.memory_space<hbm>> -> memref<20x64xf32, #tpu.memory_space<hbm>>
    %dma_wait3A_758 = arith.constant 0 : i32
    %dma_wait3A_759 = arith.constant 0 : i32
    %dma_wait3A_760 = tpu.memref_slice %arg4[%add3A_226, %dma_wait3A_758, %dma_wait3A_759] : memref<1024x20x64xf32, #tpu.memory_space<hbm>> -> memref<1x20x64xf32, #tpu.memory_space<hbm>>
    %dma_wait3A_761 = tpu.memref_squeeze %dma_wait3A_760 : memref<1x20x64xf32, #tpu.memory_space<hbm>> -> memref<20x64xf32, #tpu.memory_space<hbm>>
    %dma_wait3A_762 = arith.constant 240 : i32
    %dma_wait3A_763 = arith.constant 0 : i32
    %dma_wait3A_764 = tpu.memref_slice %arg6[%dma_wait3A_762, %dma_wait3A_763] : memref<640x64xf32, #tpu.memory_space<vmem>> -> memref<20x64xf32, #tpu.memory_space<vmem>>
    tpu.wait_dma2 semaphore(%arg8 : memref<!tpu.dma_semaphore, #tpu.memory_space<semaphore_mem>>) src(%dma_wait3A_764 : memref<20x64xf32, #tpu.memory_space<vmem>>) dst(%dma_wait3A_761 : memref<20x64xf32, #tpu.memory_space<hbm>>)
    %dma_wait3A_765 = arith.constant 260 : i32
    %dma_wait3A_766 = arith.constant 0 : i32
    %dma_wait3A_767 = tpu.memref_slice %arg6[%dma_wait3A_765, %dma_wait3A_766] : memref<640x64xf32, #tpu.memory_space<vmem>> -> memref<20x64xf32, #tpu.memory_space<vmem>>
    %dma_wait3A_768 = arith.constant 0 : i32
    %dma_wait3A_769 = arith.constant 0 : i32
    %dma_wait3A_770 = tpu.memref_slice %arg4[%add3A_244, %dma_wait3A_768, %dma_wait3A_769] : memref<1024x20x64xf32, #tpu.memory_space<hbm>> -> memref<1x20x64xf32, #tpu.memory_space<hbm>>
    %dma_wait3A_771 = tpu.memref_squeeze %dma_wait3A_770 : memref<1x20x64xf32, #tpu.memory_space<hbm>> -> memref<20x64xf32, #tpu.memory_space<hbm>>
    %dma_wait3A_772 = arith.constant 0 : i32
    %dma_wait3A_773 = arith.constant 0 : i32
    %dma_wait3A_774 = tpu.memref_slice %arg4[%add3A_244, %dma_wait3A_772, %dma_wait3A_773] : memref<1024x20x64xf32, #tpu.memory_space<hbm>> -> memref<1x20x64xf32, #tpu.memory_space<hbm>>
    %dma_wait3A_775 = tpu.memref_squeeze %dma_wait3A_774 : memref<1x20x64xf32, #tpu.memory_space<hbm>> -> memref<20x64xf32, #tpu.memory_space<hbm>>
    %dma_wait3A_776 = arith.constant 260 : i32
    %dma_wait3A_777 = arith.constant 0 : i32
    %dma_wait3A_778 = tpu.memref_slice %arg6[%dma_wait3A_776, %dma_wait3A_777] : memref<640x64xf32, #tpu.memory_space<vmem>> -> memref<20x64xf32, #tpu.memory_space<vmem>>
    tpu.wait_dma2 semaphore(%arg8 : memref<!tpu.dma_semaphore, #tpu.memory_space<semaphore_mem>>) src(%dma_wait3A_778 : memref<20x64xf32, #tpu.memory_space<vmem>>) dst(%dma_wait3A_775 : memref<20x64xf32, #tpu.memory_space<hbm>>)
    %dma_wait3A_779 = arith.constant 280 : i32
    %dma_wait3A_780 = arith.constant 0 : i32
    %dma_wait3A_781 = tpu.memref_slice %arg6[%dma_wait3A_779, %dma_wait3A_780] : memref<640x64xf32, #tpu.memory_space<vmem>> -> memref<20x64xf32, #tpu.memory_space<vmem>>
    %dma_wait3A_782 = arith.constant 0 : i32
    %dma_wait3A_783 = arith.constant 0 : i32
    %dma_wait3A_784 = tpu.memref_slice %arg4[%add3A_262, %dma_wait3A_782, %dma_wait3A_783] : memref<1024x20x64xf32, #tpu.memory_space<hbm>> -> memref<1x20x64xf32, #tpu.memory_space<hbm>>
    %dma_wait3A_785 = tpu.memref_squeeze %dma_wait3A_784 : memref<1x20x64xf32, #tpu.memory_space<hbm>> -> memref<20x64xf32, #tpu.memory_space<hbm>>
    %dma_wait3A_786 = arith.constant 0 : i32
    %dma_wait3A_787 = arith.constant 0 : i32
    %dma_wait3A_788 = tpu.memref_slice %arg4[%add3A_262, %dma_wait3A_786, %dma_wait3A_787] : memref<1024x20x64xf32, #tpu.memory_space<hbm>> -> memref<1x20x64xf32, #tpu.memory_space<hbm>>
    %dma_wait3A_789 = tpu.memref_squeeze %dma_wait3A_788 : memref<1x20x64xf32, #tpu.memory_space<hbm>> -> memref<20x64xf32, #tpu.memory_space<hbm>>
    %dma_wait3A_790 = arith.constant 280 : i32
    %dma_wait3A_791 = arith.constant 0 : i32
    %dma_wait3A_792 = tpu.memref_slice %arg6[%dma_wait3A_790, %dma_wait3A_791] : memref<640x64xf32, #tpu.memory_space<vmem>> -> memref<20x64xf32, #tpu.memory_space<vmem>>
    tpu.wait_dma2 semaphore(%arg8 : memref<!tpu.dma_semaphore, #tpu.memory_space<semaphore_mem>>) src(%dma_wait3A_792 : memref<20x64xf32, #tpu.memory_space<vmem>>) dst(%dma_wait3A_789 : memref<20x64xf32, #tpu.memory_space<hbm>>)
    %dma_wait3A_793 = arith.constant 300 : i32
    %dma_wait3A_794 = arith.constant 0 : i32
    %dma_wait3A_795 = tpu.memref_slice %arg6[%dma_wait3A_793, %dma_wait3A_794] : memref<640x64xf32, #tpu.memory_space<vmem>> -> memref<20x64xf32, #tpu.memory_space<vmem>>
    %dma_wait3A_796 = arith.constant 0 : i32
    %dma_wait3A_797 = arith.constant 0 : i32
    %dma_wait3A_798 = tpu.memref_slice %arg4[%add3A_280, %dma_wait3A_796, %dma_wait3A_797] : memref<1024x20x64xf32, #tpu.memory_space<hbm>> -> memref<1x20x64xf32, #tpu.memory_space<hbm>>
    %dma_wait3A_799 = tpu.memref_squeeze %dma_wait3A_798 : memref<1x20x64xf32, #tpu.memory_space<hbm>> -> memref<20x64xf32, #tpu.memory_space<hbm>>
    %dma_wait3A_800 = arith.constant 0 : i32
    %dma_wait3A_801 = arith.constant 0 : i32
    %dma_wait3A_802 = tpu.memref_slice %arg4[%add3A_280, %dma_wait3A_800, %dma_wait3A_801] : memref<1024x20x64xf32, #tpu.memory_space<hbm>> -> memref<1x20x64xf32, #tpu.memory_space<hbm>>
    %dma_wait3A_803 = tpu.memref_squeeze %dma_wait3A_802 : memref<1x20x64xf32, #tpu.memory_space<hbm>> -> memref<20x64xf32, #tpu.memory_space<hbm>>
    %dma_wait3A_804 = arith.constant 300 : i32
    %dma_wait3A_805 = arith.constant 0 : i32
    %dma_wait3A_806 = tpu.memref_slice %arg6[%dma_wait3A_804, %dma_wait3A_805] : memref<640x64xf32, #tpu.memory_space<vmem>> -> memref<20x64xf32, #tpu.memory_space<vmem>>
    tpu.wait_dma2 semaphore(%arg8 : memref<!tpu.dma_semaphore, #tpu.memory_space<semaphore_mem>>) src(%dma_wait3A_806 : memref<20x64xf32, #tpu.memory_space<vmem>>) dst(%dma_wait3A_803 : memref<20x64xf32, #tpu.memory_space<hbm>>)
    %dma_wait3A_807 = arith.constant 320 : i32
    %dma_wait3A_808 = arith.constant 0 : i32
    %dma_wait3A_809 = tpu.memref_slice %arg6[%dma_wait3A_807, %dma_wait3A_808] : memref<640x64xf32, #tpu.memory_space<vmem>> -> memref<20x64xf32, #tpu.memory_space<vmem>>
    %dma_wait3A_810 = arith.constant 0 : i32
    %dma_wait3A_811 = arith.constant 0 : i32
    %dma_wait3A_812 = tpu.memref_slice %arg4[%add3A_298, %dma_wait3A_810, %dma_wait3A_811] : memref<1024x20x64xf32, #tpu.memory_space<hbm>> -> memref<1x20x64xf32, #tpu.memory_space<hbm>>
    %dma_wait3A_813 = tpu.memref_squeeze %dma_wait3A_812 : memref<1x20x64xf32, #tpu.memory_space<hbm>> -> memref<20x64xf32, #tpu.memory_space<hbm>>
    %dma_wait3A_814 = arith.constant 0 : i32
    %dma_wait3A_815 = arith.constant 0 : i32
    %dma_wait3A_816 = tpu.memref_slice %arg4[%add3A_298, %dma_wait3A_814, %dma_wait3A_815] : memref<1024x20x64xf32, #tpu.memory_space<hbm>> -> memref<1x20x64xf32, #tpu.memory_space<hbm>>
    %dma_wait3A_817 = tpu.memref_squeeze %dma_wait3A_816 : memref<1x20x64xf32, #tpu.memory_space<hbm>> -> memref<20x64xf32, #tpu.memory_space<hbm>>
    %dma_wait3A_818 = arith.constant 320 : i32
    %dma_wait3A_819 = arith.constant 0 : i32
    %dma_wait3A_820 = tpu.memref_slice %arg6[%dma_wait3A_818, %dma_wait3A_819] : memref<640x64xf32, #tpu.memory_space<vmem>> -> memref<20x64xf32, #tpu.memory_space<vmem>>
    tpu.wait_dma2 semaphore(%arg8 : memref<!tpu.dma_semaphore, #tpu.memory_space<semaphore_mem>>) src(%dma_wait3A_820 : memref<20x64xf32, #tpu.memory_space<vmem>>) dst(%dma_wait3A_817 : memref<20x64xf32, #tpu.memory_space<hbm>>)
    %dma_wait3A_821 = arith.constant 340 : i32
    %dma_wait3A_822 = arith.constant 0 : i32
    %dma_wait3A_823 = tpu.memref_slice %arg6[%dma_wait3A_821, %dma_wait3A_822] : memref<640x64xf32, #tpu.memory_space<vmem>> -> memref<20x64xf32, #tpu.memory_space<vmem>>
    %dma_wait3A_824 = arith.constant 0 : i32
    %dma_wait3A_825 = arith.constant 0 : i32
    %dma_wait3A_826 = tpu.memref_slice %arg4[%add3A_316, %dma_wait3A_824, %dma_wait3A_825] : memref<1024x20x64xf32, #tpu.memory_space<hbm>> -> memref<1x20x64xf32, #tpu.memory_space<hbm>>
    %dma_wait3A_827 = tpu.memref_squeeze %dma_wait3A_826 : memref<1x20x64xf32, #tpu.memory_space<hbm>> -> memref<20x64xf32, #tpu.memory_space<hbm>>
    %dma_wait3A_828 = arith.constant 0 : i32
    %dma_wait3A_829 = arith.constant 0 : i32
    %dma_wait3A_830 = tpu.memref_slice %arg4[%add3A_316, %dma_wait3A_828, %dma_wait3A_829] : memref<1024x20x64xf32, #tpu.memory_space<hbm>> -> memref<1x20x64xf32, #tpu.memory_space<hbm>>
    %dma_wait3A_831 = tpu.memref_squeeze %dma_wait3A_830 : memref<1x20x64xf32, #tpu.memory_space<hbm>> -> memref<20x64xf32, #tpu.memory_space<hbm>>
    %dma_wait3A_832 = arith.constant 340 : i32
    %dma_wait3A_833 = arith.constant 0 : i32
    %dma_wait3A_834 = tpu.memref_slice %arg6[%dma_wait3A_832, %dma_wait3A_833] : memref<640x64xf32, #tpu.memory_space<vmem>> -> memref<20x64xf32, #tpu.memory_space<vmem>>
    tpu.wait_dma2 semaphore(%arg8 : memref<!tpu.dma_semaphore, #tpu.memory_space<semaphore_mem>>) src(%dma_wait3A_834 : memref<20x64xf32, #tpu.memory_space<vmem>>) dst(%dma_wait3A_831 : memref<20x64xf32, #tpu.memory_space<hbm>>)
    %dma_wait3A_835 = arith.constant 360 : i32
    %dma_wait3A_836 = arith.constant 0 : i32
    %dma_wait3A_837 = tpu.memref_slice %arg6[%dma_wait3A_835, %dma_wait3A_836] : memref<640x64xf32, #tpu.memory_space<vmem>> -> memref<20x64xf32, #tpu.memory_space<vmem>>
    %dma_wait3A_838 = arith.constant 0 : i32
    %dma_wait3A_839 = arith.constant 0 : i32
    %dma_wait3A_840 = tpu.memref_slice %arg4[%add3A_334, %dma_wait3A_838, %dma_wait3A_839] : memref<1024x20x64xf32, #tpu.memory_space<hbm>> -> memref<1x20x64xf32, #tpu.memory_space<hbm>>
    %dma_wait3A_841 = tpu.memref_squeeze %dma_wait3A_840 : memref<1x20x64xf32, #tpu.memory_space<hbm>> -> memref<20x64xf32, #tpu.memory_space<hbm>>
    %dma_wait3A_842 = arith.constant 0 : i32
    %dma_wait3A_843 = arith.constant 0 : i32
    %dma_wait3A_844 = tpu.memref_slice %arg4[%add3A_334, %dma_wait3A_842, %dma_wait3A_843] : memref<1024x20x64xf32, #tpu.memory_space<hbm>> -> memref<1x20x64xf32, #tpu.memory_space<hbm>>
    %dma_wait3A_845 = tpu.memref_squeeze %dma_wait3A_844 : memref<1x20x64xf32, #tpu.memory_space<hbm>> -> memref<20x64xf32, #tpu.memory_space<hbm>>
    %dma_wait3A_846 = arith.constant 360 : i32
    %dma_wait3A_847 = arith.constant 0 : i32
    %dma_wait3A_848 = tpu.memref_slice %arg6[%dma_wait3A_846, %dma_wait3A_847] : memref<640x64xf32, #tpu.memory_space<vmem>> -> memref<20x64xf32, #tpu.memory_space<vmem>>
    tpu.wait_dma2 semaphore(%arg8 : memref<!tpu.dma_semaphore, #tpu.memory_space<semaphore_mem>>) src(%dma_wait3A_848 : memref<20x64xf32, #tpu.memory_space<vmem>>) dst(%dma_wait3A_845 : memref<20x64xf32, #tpu.memory_space<hbm>>)
    %dma_wait3A_849 = arith.constant 380 : i32
    %dma_wait3A_850 = arith.constant 0 : i32
    %dma_wait3A_851 = tpu.memref_slice %arg6[%dma_wait3A_849, %dma_wait3A_850] : memref<640x64xf32, #tpu.memory_space<vmem>> -> memref<20x64xf32, #tpu.memory_space<vmem>>
    %dma_wait3A_852 = arith.constant 0 : i32
    %dma_wait3A_853 = arith.constant 0 : i32
    %dma_wait3A_854 = tpu.memref_slice %arg4[%add3A_352, %dma_wait3A_852, %dma_wait3A_853] : memref<1024x20x64xf32, #tpu.memory_space<hbm>> -> memref<1x20x64xf32, #tpu.memory_space<hbm>>
    %dma_wait3A_855 = tpu.memref_squeeze %dma_wait3A_854 : memref<1x20x64xf32, #tpu.memory_space<hbm>> -> memref<20x64xf32, #tpu.memory_space<hbm>>
    %dma_wait3A_856 = arith.constant 0 : i32
    %dma_wait3A_857 = arith.constant 0 : i32
    %dma_wait3A_858 = tpu.memref_slice %arg4[%add3A_352, %dma_wait3A_856, %dma_wait3A_857] : memref<1024x20x64xf32, #tpu.memory_space<hbm>> -> memref<1x20x64xf32, #tpu.memory_space<hbm>>
    %dma_wait3A_859 = tpu.memref_squeeze %dma_wait3A_858 : memref<1x20x64xf32, #tpu.memory_space<hbm>> -> memref<20x64xf32, #tpu.memory_space<hbm>>
    %dma_wait3A_860 = arith.constant 380 : i32
    %dma_wait3A_861 = arith.constant 0 : i32
    %dma_wait3A_862 = tpu.memref_slice %arg6[%dma_wait3A_860, %dma_wait3A_861] : memref<640x64xf32, #tpu.memory_space<vmem>> -> memref<20x64xf32, #tpu.memory_space<vmem>>
    tpu.wait_dma2 semaphore(%arg8 : memref<!tpu.dma_semaphore, #tpu.memory_space<semaphore_mem>>) src(%dma_wait3A_862 : memref<20x64xf32, #tpu.memory_space<vmem>>) dst(%dma_wait3A_859 : memref<20x64xf32, #tpu.memory_space<hbm>>)
    %dma_wait3A_863 = arith.constant 400 : i32
    %dma_wait3A_864 = arith.constant 0 : i32
    %dma_wait3A_865 = tpu.memref_slice %arg6[%dma_wait3A_863, %dma_wait3A_864] : memref<640x64xf32, #tpu.memory_space<vmem>> -> memref<20x64xf32, #tpu.memory_space<vmem>>
    %dma_wait3A_866 = arith.constant 0 : i32
    %dma_wait3A_867 = arith.constant 0 : i32
    %dma_wait3A_868 = tpu.memref_slice %arg4[%add3A_370, %dma_wait3A_866, %dma_wait3A_867] : memref<1024x20x64xf32, #tpu.memory_space<hbm>> -> memref<1x20x64xf32, #tpu.memory_space<hbm>>
    %dma_wait3A_869 = tpu.memref_squeeze %dma_wait3A_868 : memref<1x20x64xf32, #tpu.memory_space<hbm>> -> memref<20x64xf32, #tpu.memory_space<hbm>>
    %dma_wait3A_870 = arith.constant 0 : i32
    %dma_wait3A_871 = arith.constant 0 : i32
    %dma_wait3A_872 = tpu.memref_slice %arg4[%add3A_370, %dma_wait3A_870, %dma_wait3A_871] : memref<1024x20x64xf32, #tpu.memory_space<hbm>> -> memref<1x20x64xf32, #tpu.memory_space<hbm>>
    %dma_wait3A_873 = tpu.memref_squeeze %dma_wait3A_872 : memref<1x20x64xf32, #tpu.memory_space<hbm>> -> memref<20x64xf32, #tpu.memory_space<hbm>>
    %dma_wait3A_874 = arith.constant 400 : i32
    %dma_wait3A_875 = arith.constant 0 : i32
    %dma_wait3A_876 = tpu.memref_slice %arg6[%dma_wait3A_874, %dma_wait3A_875] : memref<640x64xf32, #tpu.memory_space<vmem>> -> memref<20x64xf32, #tpu.memory_space<vmem>>
    tpu.wait_dma2 semaphore(%arg8 : memref<!tpu.dma_semaphore, #tpu.memory_space<semaphore_mem>>) src(%dma_wait3A_876 : memref<20x64xf32, #tpu.memory_space<vmem>>) dst(%dma_wait3A_873 : memref<20x64xf32, #tpu.memory_space<hbm>>)
    %dma_wait3A_877 = arith.constant 420 : i32
    %dma_wait3A_878 = arith.constant 0 : i32
    %dma_wait3A_879 = tpu.memref_slice %arg6[%dma_wait3A_877, %dma_wait3A_878] : memref<640x64xf32, #tpu.memory_space<vmem>> -> memref<20x64xf32, #tpu.memory_space<vmem>>
    %dma_wait3A_880 = arith.constant 0 : i32
    %dma_wait3A_881 = arith.constant 0 : i32
    %dma_wait3A_882 = tpu.memref_slice %arg4[%add3A_388, %dma_wait3A_880, %dma_wait3A_881] : memref<1024x20x64xf32, #tpu.memory_space<hbm>> -> memref<1x20x64xf32, #tpu.memory_space<hbm>>
    %dma_wait3A_883 = tpu.memref_squeeze %dma_wait3A_882 : memref<1x20x64xf32, #tpu.memory_space<hbm>> -> memref<20x64xf32, #tpu.memory_space<hbm>>
    %dma_wait3A_884 = arith.constant 0 : i32
    %dma_wait3A_885 = arith.constant 0 : i32
    %dma_wait3A_886 = tpu.memref_slice %arg4[%add3A_388, %dma_wait3A_884, %dma_wait3A_885] : memref<1024x20x64xf32, #tpu.memory_space<hbm>> -> memref<1x20x64xf32, #tpu.memory_space<hbm>>
    %dma_wait3A_887 = tpu.memref_squeeze %dma_wait3A_886 : memref<1x20x64xf32, #tpu.memory_space<hbm>> -> memref<20x64xf32, #tpu.memory_space<hbm>>
    %dma_wait3A_888 = arith.constant 420 : i32
    %dma_wait3A_889 = arith.constant 0 : i32
    %dma_wait3A_890 = tpu.memref_slice %arg6[%dma_wait3A_888, %dma_wait3A_889] : memref<640x64xf32, #tpu.memory_space<vmem>> -> memref<20x64xf32, #tpu.memory_space<vmem>>
    tpu.wait_dma2 semaphore(%arg8 : memref<!tpu.dma_semaphore, #tpu.memory_space<semaphore_mem>>) src(%dma_wait3A_890 : memref<20x64xf32, #tpu.memory_space<vmem>>) dst(%dma_wait3A_887 : memref<20x64xf32, #tpu.memory_space<hbm>>)
    %dma_wait3A_891 = arith.constant 440 : i32
    %dma_wait3A_892 = arith.constant 0 : i32
    %dma_wait3A_893 = tpu.memref_slice %arg6[%dma_wait3A_891, %dma_wait3A_892] : memref<640x64xf32, #tpu.memory_space<vmem>> -> memref<20x64xf32, #tpu.memory_space<vmem>>
    %dma_wait3A_894 = arith.constant 0 : i32
    %dma_wait3A_895 = arith.constant 0 : i32
    %dma_wait3A_896 = tpu.memref_slice %arg4[%add3A_406, %dma_wait3A_894, %dma_wait3A_895] : memref<1024x20x64xf32, #tpu.memory_space<hbm>> -> memref<1x20x64xf32, #tpu.memory_space<hbm>>
    %dma_wait3A_897 = tpu.memref_squeeze %dma_wait3A_896 : memref<1x20x64xf32, #tpu.memory_space<hbm>> -> memref<20x64xf32, #tpu.memory_space<hbm>>
    %dma_wait3A_898 = arith.constant 0 : i32
    %dma_wait3A_899 = arith.constant 0 : i32
    %dma_wait3A_900 = tpu.memref_slice %arg4[%add3A_406, %dma_wait3A_898, %dma_wait3A_899] : memref<1024x20x64xf32, #tpu.memory_space<hbm>> -> memref<1x20x64xf32, #tpu.memory_space<hbm>>
    %dma_wait3A_901 = tpu.memref_squeeze %dma_wait3A_900 : memref<1x20x64xf32, #tpu.memory_space<hbm>> -> memref<20x64xf32, #tpu.memory_space<hbm>>
    %dma_wait3A_902 = arith.constant 440 : i32
    %dma_wait3A_903 = arith.constant 0 : i32
    %dma_wait3A_904 = tpu.memref_slice %arg6[%dma_wait3A_902, %dma_wait3A_903] : memref<640x64xf32, #tpu.memory_space<vmem>> -> memref<20x64xf32, #tpu.memory_space<vmem>>
    tpu.wait_dma2 semaphore(%arg8 : memref<!tpu.dma_semaphore, #tpu.memory_space<semaphore_mem>>) src(%dma_wait3A_904 : memref<20x64xf32, #tpu.memory_space<vmem>>) dst(%dma_wait3A_901 : memref<20x64xf32, #tpu.memory_space<hbm>>)
    %dma_wait3A_905 = arith.constant 460 : i32
    %dma_wait3A_906 = arith.constant 0 : i32
    %dma_wait3A_907 = tpu.memref_slice %arg6[%dma_wait3A_905, %dma_wait3A_906] : memref<640x64xf32, #tpu.memory_space<vmem>> -> memref<20x64xf32, #tpu.memory_space<vmem>>
    %dma_wait3A_908 = arith.constant 0 : i32
    %dma_wait3A_909 = arith.constant 0 : i32
    %dma_wait3A_910 = tpu.memref_slice %arg4[%add3A_424, %dma_wait3A_908, %dma_wait3A_909] : memref<1024x20x64xf32, #tpu.memory_space<hbm>> -> memref<1x20x64xf32, #tpu.memory_space<hbm>>
    %dma_wait3A_911 = tpu.memref_squeeze %dma_wait3A_910 : memref<1x20x64xf32, #tpu.memory_space<hbm>> -> memref<20x64xf32, #tpu.memory_space<hbm>>
    %dma_wait3A_912 = arith.constant 0 : i32
    %dma_wait3A_913 = arith.constant 0 : i32
    %dma_wait3A_914 = tpu.memref_slice %arg4[%add3A_424, %dma_wait3A_912, %dma_wait3A_913] : memref<1024x20x64xf32, #tpu.memory_space<hbm>> -> memref<1x20x64xf32, #tpu.memory_space<hbm>>
    %dma_wait3A_915 = tpu.memref_squeeze %dma_wait3A_914 : memref<1x20x64xf32, #tpu.memory_space<hbm>> -> memref<20x64xf32, #tpu.memory_space<hbm>>
    %dma_wait3A_916 = arith.constant 460 : i32
    %dma_wait3A_917 = arith.constant 0 : i32
    %dma_wait3A_918 = tpu.memref_slice %arg6[%dma_wait3A_916, %dma_wait3A_917] : memref<640x64xf32, #tpu.memory_space<vmem>> -> memref<20x64xf32, #tpu.memory_space<vmem>>
    tpu.wait_dma2 semaphore(%arg8 : memref<!tpu.dma_semaphore, #tpu.memory_space<semaphore_mem>>) src(%dma_wait3A_918 : memref<20x64xf32, #tpu.memory_space<vmem>>) dst(%dma_wait3A_915 : memref<20x64xf32, #tpu.memory_space<hbm>>)
    %dma_wait3A_919 = arith.constant 480 : i32
    %dma_wait3A_920 = arith.constant 0 : i32
    %dma_wait3A_921 = tpu.memref_slice %arg6[%dma_wait3A_919, %dma_wait3A_920] : memref<640x64xf32, #tpu.memory_space<vmem>> -> memref<20x64xf32, #tpu.memory_space<vmem>>
    %dma_wait3A_922 = arith.constant 0 : i32
    %dma_wait3A_923 = arith.constant 0 : i32
    %dma_wait3A_924 = tpu.memref_slice %arg4[%add3A_442, %dma_wait3A_922, %dma_wait3A_923] : memref<1024x20x64xf32, #tpu.memory_space<hbm>> -> memref<1x20x64xf32, #tpu.memory_space<hbm>>
    %dma_wait3A_925 = tpu.memref_squeeze %dma_wait3A_924 : memref<1x20x64xf32, #tpu.memory_space<hbm>> -> memref<20x64xf32, #tpu.memory_space<hbm>>
    %dma_wait3A_926 = arith.constant 0 : i32
    %dma_wait3A_927 = arith.constant 0 : i32
    %dma_wait3A_928 = tpu.memref_slice %arg4[%add3A_442, %dma_wait3A_926, %dma_wait3A_927] : memref<1024x20x64xf32, #tpu.memory_space<hbm>> -> memref<1x20x64xf32, #tpu.memory_space<hbm>>
    %dma_wait3A_929 = tpu.memref_squeeze %dma_wait3A_928 : memref<1x20x64xf32, #tpu.memory_space<hbm>> -> memref<20x64xf32, #tpu.memory_space<hbm>>
    %dma_wait3A_930 = arith.constant 480 : i32
    %dma_wait3A_931 = arith.constant 0 : i32
    %dma_wait3A_932 = tpu.memref_slice %arg6[%dma_wait3A_930, %dma_wait3A_931] : memref<640x64xf32, #tpu.memory_space<vmem>> -> memref<20x64xf32, #tpu.memory_space<vmem>>
    tpu.wait_dma2 semaphore(%arg8 : memref<!tpu.dma_semaphore, #tpu.memory_space<semaphore_mem>>) src(%dma_wait3A_932 : memref<20x64xf32, #tpu.memory_space<vmem>>) dst(%dma_wait3A_929 : memref<20x64xf32, #tpu.memory_space<hbm>>)
    %dma_wait3A_933 = arith.constant 500 : i32
    %dma_wait3A_934 = arith.constant 0 : i32
    %dma_wait3A_935 = tpu.memref_slice %arg6[%dma_wait3A_933, %dma_wait3A_934] : memref<640x64xf32, #tpu.memory_space<vmem>> -> memref<20x64xf32, #tpu.memory_space<vmem>>
    %dma_wait3A_936 = arith.constant 0 : i32
    %dma_wait3A_937 = arith.constant 0 : i32
    %dma_wait3A_938 = tpu.memref_slice %arg4[%add3A_460, %dma_wait3A_936, %dma_wait3A_937] : memref<1024x20x64xf32, #tpu.memory_space<hbm>> -> memref<1x20x64xf32, #tpu.memory_space<hbm>>
    %dma_wait3A_939 = tpu.memref_squeeze %dma_wait3A_938 : memref<1x20x64xf32, #tpu.memory_space<hbm>> -> memref<20x64xf32, #tpu.memory_space<hbm>>
    %dma_wait3A_940 = arith.constant 0 : i32
    %dma_wait3A_941 = arith.constant 0 : i32
    %dma_wait3A_942 = tpu.memref_slice %arg4[%add3A_460, %dma_wait3A_940, %dma_wait3A_941] : memref<1024x20x64xf32, #tpu.memory_space<hbm>> -> memref<1x20x64xf32, #tpu.memory_space<hbm>>
    %dma_wait3A_943 = tpu.memref_squeeze %dma_wait3A_942 : memref<1x20x64xf32, #tpu.memory_space<hbm>> -> memref<20x64xf32, #tpu.memory_space<hbm>>
    %dma_wait3A_944 = arith.constant 500 : i32
    %dma_wait3A_945 = arith.constant 0 : i32
    %dma_wait3A_946 = tpu.memref_slice %arg6[%dma_wait3A_944, %dma_wait3A_945] : memref<640x64xf32, #tpu.memory_space<vmem>> -> memref<20x64xf32, #tpu.memory_space<vmem>>
    tpu.wait_dma2 semaphore(%arg8 : memref<!tpu.dma_semaphore, #tpu.memory_space<semaphore_mem>>) src(%dma_wait3A_946 : memref<20x64xf32, #tpu.memory_space<vmem>>) dst(%dma_wait3A_943 : memref<20x64xf32, #tpu.memory_space<hbm>>)
    %dma_wait3A_947 = arith.constant 520 : i32
    %dma_wait3A_948 = arith.constant 0 : i32
    %dma_wait3A_949 = tpu.memref_slice %arg6[%dma_wait3A_947, %dma_wait3A_948] : memref<640x64xf32, #tpu.memory_space<vmem>> -> memref<20x64xf32, #tpu.memory_space<vmem>>
    %dma_wait3A_950 = arith.constant 0 : i32
    %dma_wait3A_951 = arith.constant 0 : i32
    %dma_wait3A_952 = tpu.memref_slice %arg4[%add3A_478, %dma_wait3A_950, %dma_wait3A_951] : memref<1024x20x64xf32, #tpu.memory_space<hbm>> -> memref<1x20x64xf32, #tpu.memory_space<hbm>>
    %dma_wait3A_953 = tpu.memref_squeeze %dma_wait3A_952 : memref<1x20x64xf32, #tpu.memory_space<hbm>> -> memref<20x64xf32, #tpu.memory_space<hbm>>
    %dma_wait3A_954 = arith.constant 0 : i32
    %dma_wait3A_955 = arith.constant 0 : i32
    %dma_wait3A_956 = tpu.memref_slice %arg4[%add3A_478, %dma_wait3A_954, %dma_wait3A_955] : memref<1024x20x64xf32, #tpu.memory_space<hbm>> -> memref<1x20x64xf32, #tpu.memory_space<hbm>>
    %dma_wait3A_957 = tpu.memref_squeeze %dma_wait3A_956 : memref<1x20x64xf32, #tpu.memory_space<hbm>> -> memref<20x64xf32, #tpu.memory_space<hbm>>
    %dma_wait3A_958 = arith.constant 520 : i32
    %dma_wait3A_959 = arith.constant 0 : i32
    %dma_wait3A_960 = tpu.memref_slice %arg6[%dma_wait3A_958, %dma_wait3A_959] : memref<640x64xf32, #tpu.memory_space<vmem>> -> memref<20x64xf32, #tpu.memory_space<vmem>>
    tpu.wait_dma2 semaphore(%arg8 : memref<!tpu.dma_semaphore, #tpu.memory_space<semaphore_mem>>) src(%dma_wait3A_960 : memref<20x64xf32, #tpu.memory_space<vmem>>) dst(%dma_wait3A_957 : memref<20x64xf32, #tpu.memory_space<hbm>>)
    %dma_wait3A_961 = arith.constant 540 : i32
    %dma_wait3A_962 = arith.constant 0 : i32
    %dma_wait3A_963 = tpu.memref_slice %arg6[%dma_wait3A_961, %dma_wait3A_962] : memref<640x64xf32, #tpu.memory_space<vmem>> -> memref<20x64xf32, #tpu.memory_space<vmem>>
    %dma_wait3A_964 = arith.constant 0 : i32
    %dma_wait3A_965 = arith.constant 0 : i32
    %dma_wait3A_966 = tpu.memref_slice %arg4[%add3A_496, %dma_wait3A_964, %dma_wait3A_965] : memref<1024x20x64xf32, #tpu.memory_space<hbm>> -> memref<1x20x64xf32, #tpu.memory_space<hbm>>
    %dma_wait3A_967 = tpu.memref_squeeze %dma_wait3A_966 : memref<1x20x64xf32, #tpu.memory_space<hbm>> -> memref<20x64xf32, #tpu.memory_space<hbm>>
    %dma_wait3A_968 = arith.constant 0 : i32
    %dma_wait3A_969 = arith.constant 0 : i32
    %dma_wait3A_970 = tpu.memref_slice %arg4[%add3A_496, %dma_wait3A_968, %dma_wait3A_969] : memref<1024x20x64xf32, #tpu.memory_space<hbm>> -> memref<1x20x64xf32, #tpu.memory_space<hbm>>
    %dma_wait3A_971 = tpu.memref_squeeze %dma_wait3A_970 : memref<1x20x64xf32, #tpu.memory_space<hbm>> -> memref<20x64xf32, #tpu.memory_space<hbm>>
    %dma_wait3A_972 = arith.constant 540 : i32
    %dma_wait3A_973 = arith.constant 0 : i32
    %dma_wait3A_974 = tpu.memref_slice %arg6[%dma_wait3A_972, %dma_wait3A_973] : memref<640x64xf32, #tpu.memory_space<vmem>> -> memref<20x64xf32, #tpu.memory_space<vmem>>
    tpu.wait_dma2 semaphore(%arg8 : memref<!tpu.dma_semaphore, #tpu.memory_space<semaphore_mem>>) src(%dma_wait3A_974 : memref<20x64xf32, #tpu.memory_space<vmem>>) dst(%dma_wait3A_971 : memref<20x64xf32, #tpu.memory_space<hbm>>)
    %dma_wait3A_975 = arith.constant 560 : i32
    %dma_wait3A_976 = arith.constant 0 : i32
    %dma_wait3A_977 = tpu.memref_slice %arg6[%dma_wait3A_975, %dma_wait3A_976] : memref<640x64xf32, #tpu.memory_space<vmem>> -> memref<20x64xf32, #tpu.memory_space<vmem>>
    %dma_wait3A_978 = arith.constant 0 : i32
    %dma_wait3A_979 = arith.constant 0 : i32
    %dma_wait3A_980 = tpu.memref_slice %arg4[%add3A_514, %dma_wait3A_978, %dma_wait3A_979] : memref<1024x20x64xf32, #tpu.memory_space<hbm>> -> memref<1x20x64xf32, #tpu.memory_space<hbm>>
    %dma_wait3A_981 = tpu.memref_squeeze %dma_wait3A_980 : memref<1x20x64xf32, #tpu.memory_space<hbm>> -> memref<20x64xf32, #tpu.memory_space<hbm>>
    %dma_wait3A_982 = arith.constant 0 : i32
    %dma_wait3A_983 = arith.constant 0 : i32
    %dma_wait3A_984 = tpu.memref_slice %arg4[%add3A_514, %dma_wait3A_982, %dma_wait3A_983] : memref<1024x20x64xf32, #tpu.memory_space<hbm>> -> memref<1x20x64xf32, #tpu.memory_space<hbm>>
    %dma_wait3A_985 = tpu.memref_squeeze %dma_wait3A_984 : memref<1x20x64xf32, #tpu.memory_space<hbm>> -> memref<20x64xf32, #tpu.memory_space<hbm>>
    %dma_wait3A_986 = arith.constant 560 : i32
    %dma_wait3A_987 = arith.constant 0 : i32
    %dma_wait3A_988 = tpu.memref_slice %arg6[%dma_wait3A_986, %dma_wait3A_987] : memref<640x64xf32, #tpu.memory_space<vmem>> -> memref<20x64xf32, #tpu.memory_space<vmem>>
    tpu.wait_dma2 semaphore(%arg8 : memref<!tpu.dma_semaphore, #tpu.memory_space<semaphore_mem>>) src(%dma_wait3A_988 : memref<20x64xf32, #tpu.memory_space<vmem>>) dst(%dma_wait3A_985 : memref<20x64xf32, #tpu.memory_space<hbm>>)
    %dma_wait3A_989 = arith.constant 580 : i32
    %dma_wait3A_990 = arith.constant 0 : i32
    %dma_wait3A_991 = tpu.memref_slice %arg6[%dma_wait3A_989, %dma_wait3A_990] : memref<640x64xf32, #tpu.memory_space<vmem>> -> memref<20x64xf32, #tpu.memory_space<vmem>>
    %dma_wait3A_992 = arith.constant 0 : i32
    %dma_wait3A_993 = arith.constant 0 : i32
    %dma_wait3A_994 = tpu.memref_slice %arg4[%add3A_532, %dma_wait3A_992, %dma_wait3A_993] : memref<1024x20x64xf32, #tpu.memory_space<hbm>> -> memref<1x20x64xf32, #tpu.memory_space<hbm>>
    %dma_wait3A_995 = tpu.memref_squeeze %dma_wait3A_994 : memref<1x20x64xf32, #tpu.memory_space<hbm>> -> memref<20x64xf32, #tpu.memory_space<hbm>>
    %dma_wait3A_996 = arith.constant 0 : i32
    %dma_wait3A_997 = arith.constant 0 : i32
    %dma_wait3A_998 = tpu.memref_slice %arg4[%add3A_532, %dma_wait3A_996, %dma_wait3A_997] : memref<1024x20x64xf32, #tpu.memory_space<hbm>> -> memref<1x20x64xf32, #tpu.memory_space<hbm>>
    %dma_wait3A_999 = tpu.memref_squeeze %dma_wait3A_998 : memref<1x20x64xf32, #tpu.memory_space<hbm>> -> memref<20x64xf32, #tpu.memory_space<hbm>>
    %dma_wait3A_1000 = arith.constant 580 : i32
    %dma_wait3A_1001 = arith.constant 0 : i32
    %dma_wait3A_1002 = tpu.memref_slice %arg6[%dma_wait3A_1000, %dma_wait3A_1001] : memref<640x64xf32, #tpu.memory_space<vmem>> -> memref<20x64xf32, #tpu.memory_space<vmem>>
    tpu.wait_dma2 semaphore(%arg8 : memref<!tpu.dma_semaphore, #tpu.memory_space<semaphore_mem>>) src(%dma_wait3A_1002 : memref<20x64xf32, #tpu.memory_space<vmem>>) dst(%dma_wait3A_999 : memref<20x64xf32, #tpu.memory_space<hbm>>)
    %dma_wait3A_1003 = arith.constant 600 : i32
    %dma_wait3A_1004 = arith.constant 0 : i32
    %dma_wait3A_1005 = tpu.memref_slice %arg6[%dma_wait3A_1003, %dma_wait3A_1004] : memref<640x64xf32, #tpu.memory_space<vmem>> -> memref<20x64xf32, #tpu.memory_space<vmem>>
    %dma_wait3A_1006 = arith.constant 0 : i32
    %dma_wait3A_1007 = arith.constant 0 : i32
    %dma_wait3A_1008 = tpu.memref_slice %arg4[%add3A_550, %dma_wait3A_1006, %dma_wait3A_1007] : memref<1024x20x64xf32, #tpu.memory_space<hbm>> -> memref<1x20x64xf32, #tpu.memory_space<hbm>>
    %dma_wait3A_1009 = tpu.memref_squeeze %dma_wait3A_1008 : memref<1x20x64xf32, #tpu.memory_space<hbm>> -> memref<20x64xf32, #tpu.memory_space<hbm>>
    %dma_wait3A_1010 = arith.constant 0 : i32
    %dma_wait3A_1011 = arith.constant 0 : i32
    %dma_wait3A_1012 = tpu.memref_slice %arg4[%add3A_550, %dma_wait3A_1010, %dma_wait3A_1011] : memref<1024x20x64xf32, #tpu.memory_space<hbm>> -> memref<1x20x64xf32, #tpu.memory_space<hbm>>
    %dma_wait3A_1013 = tpu.memref_squeeze %dma_wait3A_1012 : memref<1x20x64xf32, #tpu.memory_space<hbm>> -> memref<20x64xf32, #tpu.memory_space<hbm>>
    %dma_wait3A_1014 = arith.constant 600 : i32
    %dma_wait3A_1015 = arith.constant 0 : i32
    %dma_wait3A_1016 = tpu.memref_slice %arg6[%dma_wait3A_1014, %dma_wait3A_1015] : memref<640x64xf32, #tpu.memory_space<vmem>> -> memref<20x64xf32, #tpu.memory_space<vmem>>
    tpu.wait_dma2 semaphore(%arg8 : memref<!tpu.dma_semaphore, #tpu.memory_space<semaphore_mem>>) src(%dma_wait3A_1016 : memref<20x64xf32, #tpu.memory_space<vmem>>) dst(%dma_wait3A_1013 : memref<20x64xf32, #tpu.memory_space<hbm>>)
    %dma_wait3A_1017 = arith.constant 620 : i32
    %dma_wait3A_1018 = arith.constant 0 : i32
    %dma_wait3A_1019 = tpu.memref_slice %arg6[%dma_wait3A_1017, %dma_wait3A_1018] : memref<640x64xf32, #tpu.memory_space<vmem>> -> memref<20x64xf32, #tpu.memory_space<vmem>>
    %dma_wait3A_1020 = arith.constant 0 : i32
    %dma_wait3A_1021 = arith.constant 0 : i32
    %dma_wait3A_1022 = tpu.memref_slice %arg4[%add3A_568, %dma_wait3A_1020, %dma_wait3A_1021] : memref<1024x20x64xf32, #tpu.memory_space<hbm>> -> memref<1x20x64xf32, #tpu.memory_space<hbm>>
    %dma_wait3A_1023 = tpu.memref_squeeze %dma_wait3A_1022 : memref<1x20x64xf32, #tpu.memory_space<hbm>> -> memref<20x64xf32, #tpu.memory_space<hbm>>
    %dma_wait3A_1024 = arith.constant 0 : i32
    %dma_wait3A_1025 = arith.constant 0 : i32
    %dma_wait3A_1026 = tpu.memref_slice %arg4[%add3A_568, %dma_wait3A_1024, %dma_wait3A_1025] : memref<1024x20x64xf32, #tpu.memory_space<hbm>> -> memref<1x20x64xf32, #tpu.memory_space<hbm>>
    %dma_wait3A_1027 = tpu.memref_squeeze %dma_wait3A_1026 : memref<1x20x64xf32, #tpu.memory_space<hbm>> -> memref<20x64xf32, #tpu.memory_space<hbm>>
    %dma_wait3A_1028 = arith.constant 620 : i32
    %dma_wait3A_1029 = arith.constant 0 : i32
    %dma_wait3A_1030 = tpu.memref_slice %arg6[%dma_wait3A_1028, %dma_wait3A_1029] : memref<640x64xf32, #tpu.memory_space<vmem>> -> memref<20x64xf32, #tpu.memory_space<vmem>>
    tpu.wait_dma2 semaphore(%arg8 : memref<!tpu.dma_semaphore, #tpu.memory_space<semaphore_mem>>) src(%dma_wait3A_1030 : memref<20x64xf32, #tpu.memory_space<vmem>>) dst(%dma_wait3A_1027 : memref<20x64xf32, #tpu.memory_space<hbm>>)
    return
  }
}

module attributes {stable_mosaic.version = 14 : i64} {
  func.func @_table_body(%arg0: memref<1000x64xf32, #tpu.memory_space<vmem>>, %arg1: memref<1x64xf32, #tpu.memory_space<vmem>>, %arg2: memref<1000x64xf32, #tpu.memory_space<vmem>>) attributes {dimension_semantics = [], scalar_prefetch = 0 : i64, scratch_operands = 0 : i64, tpu.core_type = #tpu.core_type<tc>} {
    %get3A = arith.constant 0 : index
    %get3A_0 = arith.constant 0 : index
    %get3A_1 = vector.load %arg0[%get3A, %get3A_0] : memref<1000x64xf32, #tpu.memory_space<vmem>>, vector<1000x64xf32>
    %get3A_2 = arith.constant 0 : index
    %get3A_3 = arith.constant 0 : index
    %get3A_4 = vector.load %arg1[%get3A_2, %get3A_3] : memref<1x64xf32, #tpu.memory_space<vmem>>, vector<1x64xf32>
    %add3A = vector.broadcast %get3A_4 : vector<1x64xf32> to vector<1000x64xf32>
    %add3A_5 = arith.addf %get3A_1, %add3A : vector<1000x64xf32>
    %swap3A = arith.constant 0 : index
    %swap3A_6 = arith.constant 0 : index
    %swap3A_7 = vector.load %arg2[%swap3A, %swap3A_6] : memref<1000x64xf32, #tpu.memory_space<vmem>>, vector<1000x64xf32>
    tpu.vector_store %arg2[%swap3A, %swap3A_6], %add3A_5 {strides = array<i32>} : memref<1000x64xf32, #tpu.memory_space<vmem>>, vector<1000x64xf32>,
    return
  }
}

</mosaic_0001>

<sc_bundles>
// kernel: kernel.4.cloned.1.call-start
scs
__scs_entry_jumppad:
0x0: {  	(pc) =	sbr.rel $0x88, $3  }
0x1: {  	(tag) =	ssettag $0x0;
	lr =	simm.s32 $0x1  }
0x2: {  	[smem:$0x3F9E] =	sst lr;
	_ =	strace $0xD0000000  }
0x3: {  	_ = 	snop  }
0x4: {  	_ = 	snop  }
0x5: {  	_ = 	snop  }
0x6: {  	_ = 	snop  }
0x7: {  	_ = 	snop  }
__scs_overlays_trampoline_lowered:
0x8: {  	[smem:$0x3FAD] =	sst s0  }
0x9: {  	[smem:$0x3FAE] =	sst s1  }
0xa: {  	[smem:$0x3FAF] =	sst s2  }
0xb: {  	[smem:$0x3FB0] =	sst s3  }
0xc: {  	[smem:$0x3FB1] =	sst s4  }
0xd: {  	[smem:$0x3FB2] =	sst s5  }
0xe: {  	[smem:$0x3FB3] =	sst s6  }
0xf: {  	[smem:$0x3FB4] =	sst s7  }
0x10: {  	[smem:$0x3FB5] =	sst s8  }
0x11: {  	[smem:$0x3FB6] =	sst s9;
	s0 =	simm.s32 @!p0 $0x0  }
0x12: {  	s1 =	sld [smem:$0x3F9C];
	s0 =	simm.s32 @p0 $0x1  }
0x13: {  	[smem:$0x3FB7] =	sst s0;
	s0 =	simm.s32 @!p1 $0x0  }
0x14: {  	s2 =	sld [smem:$0x3F9B];
	s0 =	simm.s32 @p1 $0x1  }
0x15: {  	[smem:$0x3FB8] =	sst s0;
	s0 =	simm.s32 @!p2 $0x0  }
0x16: {  	s3 =	sld [smem:$0x3FDB];
	s0 =	simm.s32 @p2 $0x1  }
0x17: {  	s4 =	simm.s32 $0x1BF5;
	[smem:$0x3FBA] =	sst s0  }
0x18: {  	s0 =	sld [smem:$0x3F9D];
	_ =	swait.ge [sflag:s4], $0x0  }
0x19: {  	s7 =	sld [smem:$0x3F9E]  }
0x1a: {  	s8 =	sadd.s32 $0xFFFFE003, lr  }
0x1b: {  	s9 =	sadd.s32 $0xFFFFFEF7, lr;
	s5 =	simm.s32 $0xFFFFFFFF;
	p2 =	slt.u32 s8, $0xFFFFF086  }
0x1c: {  	p1 =	slt.u32 s9, $0xF7A;
	s5 =	simm.s32 @!p2 $0x0  }
0x1d: {  	s5 =	simm.s32 @p1 $0x1;
	p0 =	seq.s32 s7, s2  }
0x1e: {  	s7 =	smul.u32 @!p0 $0xF7A, s2;
	p2 =	seq.s32 @!p0 s5, $0x0  }
0x1f: {  	s9 =	smul.u32 $0xF7A, s1;
	s8 =	simm.s32 @!p0 $0x1BF5;
	p2 =	por !p2, p0  }
0x20: {  	[sflag:s8] =	ssyncset.s32 @!p0 $0xFFFFF086;
	s6 =	sadd.s32 @!p0 s3, s7;
	s7 =	simm.s32 @!p0 $0x108  }
0x21: {  	s3 =	sadd.s32 s3, s9;
	s6 =	sadd.s32 @!p0 $0x88, s6;
	s7 =	simm.s32 @p2 $0x1082  }
0x22: {  	[simem:s7], [sflag:s8] =	dma.local @!p0 [hbm:s6], $0xF7A  }
0x23: {  	s9 =	sor.u32 $0xD0000000, s2;
	s6 =	simm.s32 $0x108;
	_ =	swait.ge @!p0 [sflag:s8], $0x0  }
0x24: {  	s3 =	sadd.s32 $0x88, s3;
	s6 =	simm.s32 @!p1 $0x1082;
	[sflag:s4] =	ssyncset.s32 $0xFFFFF086  }
0x25: {  	[simem:s6], [sflag:s4] =	dma.local [hbm:s3], $0xF7A  }
0x26: {  	[smem:$0x3F9E] =	sst s1;
	(tag) =	ssettag s2;
	_ =	strace s9  }
0x27: {  	s1 =	sld [smem:$0x3FAE]  }
0x28: {  	s2 =	sld [smem:$0x3FAF]  }
0x29: {  	s4 =	sld [smem:$0x3FB1]  }
0x2a: {  	p0 =	seq.s32 s5, $0x0;
	s5 =	sld [smem:$0x3FB2]  }
0x2b: {  	s6 =	sld [smem:$0x3FB3]  }
0x2c: {  	s7 =	sld [smem:$0x3FB4]  }
0x2d: {  	s3 =	simm.s32 $0x108;
	s8 =	sld [smem:$0x3FB5]  }
0x2e: {  	s3 =	simm.s32 @!p0 $0x1082;
	s9 =	sld [smem:$0x3FB6]  }
0x2f: {  	lr =	sadd.s32 s0, s3;
	s0 =	sld [smem:$0x3FAD]  }
0x30: {  	s3 =	sld [smem:$0x3FB0]  }
0x31: {  	[smem:$0x3FB9] =	sst s10  }
0x32: {  	s10 =	sld [smem:$0x3FB7];
	_ =	sdelay $0x3  }
0x33: {  	p0 =	seq.s32 s10, $0x1;
	s10 =	sld [smem:$0x3FB9];
	_ =	sdelay $0x3  }
0x34: {  	[smem:$0x3FB9] =	sst s10  }
0x35: {  	s10 =	sld [smem:$0x3FB8];
	_ =	sdelay $0x3  }
0x36: {  	p1 =	seq.s32 s10, $0x1;
	s10 =	sld [smem:$0x3FB9];
	_ =	sdelay $0x3  }
0x37: {  	[smem:$0x3FB9] =	sst s10  }
0x38: {  	s10 =	sld [smem:$0x3FBA]  }
0x39: {  	_ = 	snop;
	(pc) =	sbr.ind lr, $3  }
0x3a: {  	_ = 	snop  }
0x3b: {  	_ = 	snop  }
0x3c: {  	p2 =	seq.s32 s10, $0x1;
	s10 =	sld [smem:$0x3FB9]  }
0x3d: {  	_ =	shalt  }
0x3e: {  	_ =	shalt  }
0x3f: {  	_ =	shalt  }
0x40: {  	_ =	shalt  }
0x41: {  	_ =	shalt  }
0x42: {  	_ =	shalt  }
0x43: {  	_ =	shalt  }
0x44: {  	_ =	shalt  }
0x45: {  	_ =	shalt  }
0x46: {  	_ =	shalt  }
0x47: {  	_ =	shalt  }
0x48: {  	_ =	shalt  }
0x49: {  	_ =	shalt  }
0x4a: {  	_ =	shalt  }
0x4b: {  	_ =	shalt  }
0x4c: {  	_ =	shalt  }
0x4d: {  	_ =	shalt  }
0x4e: {  	_ =	shalt  }
0x4f: {  	_ =	shalt  }
0x50: {  	_ =	shalt  }
0x51: {  	_ =	shalt  }
0x52: {  	_ =	shalt  }
0x53: {  	_ =	shalt  }
0x54: {  	_ =	shalt  }
0x55: {  	_ =	shalt  }
0x56: {  	_ =	shalt  }
0x57: {  	_ =	shalt  }
0x58: {  	_ =	shalt  }
0x59: {  	_ =	shalt  }
0x5a: {  	_ =	shalt  }
0x5b: {  	_ =	shalt  }
0x5c: {  	_ =	shalt  }
0x5d: {  	_ =	shalt  }
0x5e: {  	_ =	shalt  }
0x5f: {  	_ =	shalt  }
0x60: {  	_ =	shalt  }
0x61: {  	_ =	shalt  }
0x62: {  	_ =	shalt  }
0x63: {  	_ =	shalt  }
0x64: {  	_ =	shalt  }
0x65: {  	_ =	shalt  }
0x66: {  	_ =	shalt  }
0x67: {  	_ =	shalt  }
0x68: {  	_ =	shalt  }
0x69: {  	_ =	shalt  }
0x6a: {  	_ =	shalt  }
0x6b: {  	_ =	shalt  }
0x6c: {  	_ =	shalt  }
0x6d: {  	_ =	shalt  }
0x6e: {  	_ =	shalt  }
0x6f: {  	_ =	shalt  }
0x70: {  	_ =	shalt  }
0x71: {  	_ =	shalt  }
0x72: {  	_ =	shalt  }
0x73: {  	_ =	shalt  }
0x74: {  	_ =	shalt  }
0x75: {  	_ =	shalt  }
0x76: {  	_ =	shalt  }
0x77: {  	_ =	shalt  }
0x78: {  	_ =	shalt  }
0x79: {  	_ =	shalt  }
0x7a: {  	_ =	shalt  }
0x7b: {  	_ =	shalt  }
0x7c: {  	_ =	shalt  }
0x7d: {  	_ =	shalt  }
0x7e: {  	_ =	shalt  }
0x7f: {  	_ =	shalt  }
0x80: {  	_ =	shalt  }
0x81: {  	_ =	shalt  }
0x82: {  	_ =	shalt  }
0x83: {  	_ =	shalt  }
0x84: {  	_ =	shalt  }
0x85: {  	_ =	shalt  }
0x86: {  	_ =	shalt  }
0x87: {  	_ =	shalt  }
.Lfunc_end0:
.L_simem_size_0:
called_computation_lowered:
.L_overlay_start_0:
0x88: {  	s2 =	sld [smem:$0x3FD9]  }
0x89: {  	s3 =	sld [smem:$0x3FFE];
	_ =	sdelay $0x1  }
0x8a: {  	s1 =	srdreg.scid  }
0x8b: {  	s0 =	sand.u32 $0x1, s1  }
0x8c: {  	s17 =	sshll.u32 s0, $0xA;
	s2 =	sadd.s32 s3, s2  }
0x8d: {  	s2 =	sadd.s32 s2, s17  }
0x8e: {  	[smem:$0x3FC5] =	sst s2  }
0x8f: {  	_ = 	snop  }
0x90: {  	s2 =	sld [smem:$0x3FD0];
	(tm) =	ssettm $0x1  }
0x91: {  	s18 =	sld [smem:$0x3FFB];
	_ =	sdelay $0x3  }
0x92: {  	_ =	strace s18  }
0x93: {  	s3 =	sld [smem:$0x3FFC];
	_ =	sdelay $0x3  }
0x94: {  	_ =	strace s3  }
0x95: {  	s3 =	sld [smem:$0x3FFD];
	_ =	sdelay $0x3  }
0x96: {  	_ =	strace s3  }
0x97: {  	_ =	strace $0x8FFFFFFF  }
0x98: {  	s19 =	sld [smem:$0x3FDB];
	_ =	sdelay $0x1  }
0x99: {  	s4 =	simm.s32 $_scs_section_size  }
0x9a: {  	s5 =	simm.s32 $_size__tile_overlayer_lowered;
	s6 =	simm.s32 $_tile_overlayer_lowered  }
0x9b: {  	s22 =	simm.s32 $0x1BFF;
	s21 =	sshll.u32 s6, $0x1;
	s3 =	sadd.s32 s4, s19  }
0x9c: {  	s7 =	simm.s32 $0x0;
	s20 =	sshll.u32 s5, $0x1;
	s5 =	sadd.s32 s21, s3  }
0x9d: {  	[timem:s7], [sflag:s22] =	dma.local [hbm:s5], s20  }
0x9e: {  	_ =	swait.ge [sflag:s22], s20  }
0x9f: {  	s4 =	ssub.s32 $0x0, s20;
	[sflag:s22] =	ssyncset.done $0x0  }
0xa0: {  	[sflag:s22] =	ssyncadd.s32 s4;
	_ =	sdelay $0x1  }
0xa1: {  	s23 =	simm.s32 $0x1B8B  }
0xa2: {  	_ =	swait.ge [sflag:s23], $0x1  }
0xa3: {  	[sflag:s23] =	ssyncset.done $0x0  }
0xa4: {  	s25 =	simm.s32 $0x1B8E;
	s24 =	sld [smem:$0x3FFE];
	[sflag:s23] =	ssyncadd.s32 $0xFFFFFFFF  }
0xa5: {  	s26 =	simm.s32 $execute0_lowered;
	[smem:$0x3FD2] =	sst s25  }
0xa6: {  	s5 =	sshll.u32 s26, $0x1;
	_ =	strace $0x80000046;
	[dreg:$0x1] =	wrdreg $0xFFFFFFFF  }
0xa7: {  	s28 =	simm.s32 $_size_execute0_lowered;
	s3 =	sadd.s32 s3, s5;
	[dreg:$0x0] =	wrdreg $0x0  }
0xa8: {  	s5 =	sshll.u32 s28, $0x1;
	[dreg:$0x2] =	wrdreg s3  }
0xa9: {  	[dreg:$0x3] =	wrdreg s5  }
0xaa: {  	[dreg:$0x4] =	wrdreg $0xC0  }
0xab: {  	_ =	task [dreg:s7], $0x5FFFF  }
0xac: {  	[dreg:$0x1] =	wrdreg $0xFFFFFFFF  }
0xad: {  	[dreg:$0x0] =	wrdreg $0x60  }
0xae: {  	[dreg:$0x2] =	wrdreg s24  }
0xaf: {  	[dreg:$0x3] =	wrdreg s2  }
0xb0: {  	[dreg:$0x4] =	wrdreg $0x9  }
0xb1: {  	_ =	task.clear_ibuf [dreg:s7], $0x5FFFF;
	_ =	strace $0x90000046  }
0xb2: {  	s29 =	simm.s32 $0x9;
	_ =	strace $0x80000048  }
0xb3: {  	_ =	swait.ge [sflag:s29], $0x1  }
0xb4: {  	[sflag:s29] =	ssyncadd.s32 $0xFFFFFFFF  }
0xb5: {  	_ =	strace $0x90000048  }
0xb6: {  	_ =	sfence  }
0xb7: {  	s30 =	sld [smem:$0x0];
	_ =	sdelay $0x2  }
0xb8: {  	s31 =	sshll.u32 s1, $0xD;
	s1 =	sshrl.u32 s1, $0x2  }
0xb9: {  	s3 =	sand.u32 $0x4000, s31;
	s1 =	sadd.s32 s1, s30  }
0xba: {  	s0 =	sor.u32 s3, s0;
	s1 =	sshll.u32 s1, $0x11  }
0xbb: {  	s0 =	sor.u32 s1, s0  }
0xbc: {  	s0 =	sadd.s32 $0x8F2B, s0  }
0xbd: {  	[sflag:s0] =	ssyncadd.remote.s32 $0x1  }
0xbe: {  	_ =	sfence.sel $0xFFFF  }
0xbf: {  	[dreg:$0x0] =	wrdreg $0xFFFFFFFF;
	(pc) =	sbr.abs _section_cstart, $3  }
0xc0: {  	[dreg:$0x1] =	wrdreg $0xFFFFFFFF  }
0xc1: {  	_ =	task.clear_ibuf [dreg:s7], $0x2FFFF;
	_ =	strace $0x9FFFFFFF  }
0xc2: {  	(tm) =	ssettm $0x7FFFFFFF  }
0xc3: {  	_ =	shalt  }
tec
execute0_lowered:
.L_overlay_start_1:
0x0: {  	(tag) =	ssettag $0x1  }
0x1: {  	s1 =	srdreg.scid;
	s0 =	stileid.u32  }
0x2: {  	s1 =	sand.u32 $0x1, s1;
	s2 =	sshll.u32 s0, $0x1  }
0x3: {  	s3 =	rddreg [dreg:$0x0];
	s5 =	sor.u32 s1, s2  }
0x4: {  	s4 =	rddreg [dreg:$0x1];
	s2 =	simm.s32 $0x0;
	s6 =	smul.u32 $0x50, s5  }
0x5: {  	[smem:$0x7FF] =	sst s2;
	s7 =	smul.u32 $0x1400, s5  }
0x6: {  	s8 =	sadd.s32 $0x600, s3;
	_ =	strace $0x80000047;
	s3 =	sadd.s32 s6, s3  }
0x7: {  	[dreg:$0x3] =	wrdreg s8;
	s6 =	sadd.s32 $0x2600, s3;
	s3 =	sadd.s32 s4, s7  }
0x8: {  	[dreg:$0x4] =	wrdreg s6;
	s0 =	sadd.s32 $0xA0, s3  }
0x9: {  	s7 =	sadd.s32 $0x140, s3;
	[dreg:$0x5] =	wrdreg s0  }
0xa: {  	s5 =	smul.u32 $0xA000, s5;
	s8 =	sadd.s32 $0x1E0, s3;
	[dreg:$0x6] =	wrdreg s7  }
0xb: {  	s9 =	sadd.s32 $0x280, s3;
	[dreg:$0x7] =	wrdreg s8  }
0xc: {  	s5 =	sshrl.u32 s5, $0x3;
	s10 =	sadd.s32 $0x320, s3;
	[dreg:$0x8] =	wrdreg s9  }
0xd: {  	s4 =	sadd.s32 s4, s5;
	s11 =	sadd.s32 $0x3C0, s3;
	[dreg:$0x9] =	wrdreg s10  }
0xe: {  	s5 =	sadd.s32 $0x460, s4;
	[dreg:$0xa] =	wrdreg s11  }
0xf: {  	s12 =	sadd.s32 $0x500, s4;
	[dreg:$0xb] =	wrdreg s5  }
0x10: {  	s13 =	sadd.s32 $0x5A0, s4;
	[dreg:$0xc] =	wrdreg s12  }
0x11: {  	s14 =	sadd.s32 $0x640, s4;
	[dreg:$0xd] =	wrdreg s13  }
0x12: {  	s15 =	sadd.s32 $0x6E0, s4;
	[dreg:$0xe] =	wrdreg s14  }
0x13: {  	s16 =	sadd.s32 $0x780, s4;
	[dreg:$0xf] =	wrdreg s15  }
0x14: {  	s17 =	sadd.s32 $0x820, s4;
	[dreg:$0x10] =	wrdreg s16  }
0x15: {  	s18 =	sadd.s32 $0x8C0, s4;
	[dreg:$0x11] =	wrdreg s17  }
0x16: {  	s19 =	sadd.s32 $0x960, s4;
	[dreg:$0x12] =	wrdreg s18  }
0x17: {  	s20 =	sadd.s32 $0xA00, s4;
	[dreg:$0x13] =	wrdreg s19  }
0x18: {  	s21 =	sadd.s32 $0xAA0, s4;
	[dreg:$0x14] =	wrdreg s20  }
0x19: {  	s22 =	sadd.s32 $0xB40, s4;
	[dreg:$0x15] =	wrdreg s21  }
0x1a: {  	s23 =	sadd.s32 $0xBE0, s4;
	[dreg:$0x16] =	wrdreg s22  }
0x1b: {  	s24 =	sadd.s32 $0xC80, s4;
	[dreg:$0x17] =	wrdreg s23  }
0x1c: {  	s25 =	sadd.s32 $0xD20, s4;
	[dreg:$0x18] =	wrdreg s24  }
0x1d: {  	s26 =	sadd.s32 $0xDC0, s4;
	[dreg:$0x19] =	wrdreg s25  }
0x1e: {  	s6 =	sadd.s32 $0xF00, s4;
	[dreg:$0x1a] =	wrdreg s26  }
0x1f: {  	[dreg:$0x1c] =	wrdreg s6  }
0x20: {  	s0 =	sadd.s32 $0xE60, s4;
	s20 =	rddreg [dreg:$0x4]  }
0x21: {  	s7 =	sadd.s32 $0xFA0, s4;
	[dreg:$0x1b] =	wrdreg s0  }
0x22: {  	s8 =	sadd.s32 $0x1040, s4;
	[dreg:$0x1d] =	wrdreg s7  }
0x23: {  	s9 =	sadd.s32 $0x10E0, s4;
	[dreg:$0x1e] =	wrdreg s8  }
0x24: {  	s10 =	sadd.s32 $0x1180, s4;
	[dreg:$0x1f] =	wrdreg s9  }
0x25: {  	s11 =	sadd.s32 $0x1220, s4;
	[smem:$0x7FA] =	sst s10  }
0x26: {  	s12 =	sadd.s32 $0x12C0, s4;
	[smem:$0x7FB] =	sst s11  }
0x27: {  	s4 =	sadd.s32 $0x1360, s4;
	[smem:$0x7FC] =	sst s12  }
0x28: {  	s13 =	simm.s32 $0x780;
	[smem:$0x7FD] =	sst s4  }
0x29: {  	s14 =	simm.s32 $0xC80;
	[smem:$0x7F7] =	sst s13  }
0x2a: {  	s15 =	simm.s32 $0x1180;
	[smem:$0x7F8] =	sst s14  }
0x2b: {  	s16 =	simm.s32 $0x1680;
	[smem:$0x7F9] =	sst s15  }
0x2c: {  	s17 =	simm.s32 $0x1B80;
	[smem:$0x7F6] =	sst s16  }
0x2d: {  	s18 =	simm.s32 $0x2080;
	[smem:$0x7F5] =	sst s17  }
0x2e: {  	s19 =	simm.s32 $0x2580;
	[smem:$0x7F4] =	sst s18  }
0x2f: {  	s21 =	simm.s32 $0x2A80;
	[smem:$0x7F3] =	sst s19  }
0x30: {  	s4 =	simm.s32 $0x3;
	[smem:$0x7F2] =	sst s21  }
0x31: {  	[tilespmem:s2], [sflag:$0x3] =	stream.linear.gather [hbm4b:s20+s2], $0x280, $0x38;
	[tilespmem:$0xA280] =	vst v63  }
0x32: {  	_ =	swait.ge [sflag:s4], $0x280  }
0x33: {  	s5 =	simm.s32 $0x280;
	[sflag:s4] =	ssyncset.done $0x0  }
0x34: {  	s6 =	simm.s32 $0x1;
	s22 =	rddreg [dreg:$0x3];
	[sflag:s4] =	ssyncadd.s32 $0xFFFFFD80  }
0x35: {  	[tilespmem:s5], [sflag:$0x1] =	stream.indirect.gather [hbm4b:s22+s5], $0x40, s2, s5, $0xb8;
	[tilespmem:$0xA280] =	vst v63  }
0x36: {  	_ =	swait.ge [sflag:s6], $0xA000  }
0x37: {  	s23 =	sld [smem:$0x7F2]  }
0x38: {  	s24 =	sld [smem:$0x7F3]  }
0x39: {  	s9 =	sld [smem:$0x7F4]  }
0x3a: {  	s10 =	sld [smem:$0x7F5]  }
0x3b: {  	s11 =	sld [smem:$0x7F6]  }
0x3c: {  	s12 =	rddreg [dreg:$0x7]  }
0x3d: {  	s13 =	rddreg [dreg:$0x6]  }
0x3e: {  	[sflag:s6] =	ssyncset.done $0x0;
	s14 =	rddreg [dreg:$0x5]  }
0x3f: {  	s15 =	sld [smem:$0x7F7];
	[sflag:s6] =	ssyncadd.s32 $0xFFFF6000  }
0x40: {  	[hbm4b:s3+s2] =	stream.linear.scatter [tilespmem:s5], [sflag:$0x2], $0x500, $0x38;
	[tilespmem:$0xA280] =	vst v63  }
0x41: {  	s16 =	sld [smem:$0x7F8]  }
0x42: {  	[hbm4b:s14+s2] =	stream.linear.scatter [tilespmem:s15], [sflag:$0x2], $0x500, $0x38;
	[tilespmem:$0xA280] =	vst v63  }
0x43: {  	s25 =	sld [smem:$0x7F9]  }
0x44: {  	[hbm4b:s13+s2] =	stream.linear.scatter [tilespmem:s16], [sflag:$0x2], $0x500, $0x38;
	[tilespmem:$0xA280] =	vst v63  }
0x45: {  	s26 =	rddreg [dreg:$0x8]  }
0x46: {  	[hbm4b:s12+s2] =	stream.linear.scatter [tilespmem:s25], [sflag:$0x2], $0x500, $0x38;
	[tilespmem:$0xA280] =	vst v63  }
0x47: {  	s0 =	rddreg [dreg:$0x9]  }
0x48: {  	[hbm4b:s26+s2] =	stream.linear.scatter [tilespmem:s11], [sflag:$0x2], $0x500, $0x38;
	[tilespmem:$0xA280] =	vst v63  }
0x49: {  	s18 =	rddreg [dreg:$0xe]  }
0x4a: {  	[hbm4b:s0+s2] =	stream.linear.scatter [tilespmem:s10], [sflag:$0x2], $0x500, $0x38;
	[tilespmem:$0xA280] =	vst v63  }
0x4b: {  	s13 =	rddreg [dreg:$0xa]  }
0x4c: {  	[hbm4b:s13+s2] =	stream.linear.scatter [tilespmem:s9], [sflag:$0x2], $0x500, $0x38;
	[tilespmem:$0xA280] =	vst v63  }
0x4d: {  	s14 =	rddreg [dreg:$0xb]  }
0x4e: {  	[hbm4b:s14+s2] =	stream.linear.scatter [tilespmem:s24], [sflag:$0x2], $0x500, $0x38;
	[tilespmem:$0xA280] =	vst v63  }
0x4f: {  	s15 =	rddreg [dreg:$0xc]  }
0x50: {  	[hbm4b:s15+s2] =	stream.linear.scatter [tilespmem:s23], [sflag:$0x2], $0x500, $0x38;
	[tilespmem:$0xA280] =	vst v63  }
0x51: {  	s17 =	simm.s32 $0x2F80;
	s16 =	rddreg [dreg:$0xd]  }
0x52: {  	[hbm4b:s16+s2] =	stream.linear.scatter [tilespmem:s17], [sflag:$0x2], $0x500, $0x38;
	[tilespmem:$0xA280] =	vst v63  }
0x53: {  	s19 =	simm.s32 $0x3480;
	s20 =	rddreg [dreg:$0xf]  }
0x54: {  	[hbm4b:s18+s2] =	stream.linear.scatter [tilespmem:s19], [sflag:$0x2], $0x500, $0x38;
	[tilespmem:$0xA280] =	vst v63  }
0x55: {  	s21 =	simm.s32 $0x3980;
	s22 =	rddreg [dreg:$0x10]  }
0x56: {  	[hbm4b:s20+s2] =	stream.linear.scatter [tilespmem:s21], [sflag:$0x2], $0x500, $0x38;
	[tilespmem:$0xA280] =	vst v63  }
0x57: {  	s8 =	rddreg [dreg:$0x13];
	s23 =	simm.s32 $0x3E80  }
0x58: {  	[hbm4b:s22+s2] =	stream.linear.scatter [tilespmem:s23], [sflag:$0x2], $0x500, $0x38;
	[tilespmem:$0xA280] =	vst v63  }
0x59: {  	s25 =	simm.s32 $0x4380;
	s24 =	rddreg [dreg:$0x11]  }
0x5a: {  	[hbm4b:s24+s2] =	stream.linear.scatter [tilespmem:s25], [sflag:$0x2], $0x500, $0x38;
	[tilespmem:$0xA280] =	vst v63  }
0x5b: {  	s7 =	simm.s32 $0x4880;
	s26 =	rddreg [dreg:$0x12]  }
0x5c: {  	[hbm4b:s26+s2] =	stream.linear.scatter [tilespmem:s7], [sflag:$0x2], $0x500, $0x38;
	[tilespmem:$0xA280] =	vst v63  }
0x5d: {  	s28 =	sld [smem:$0x7FA];
	s9 =	simm.s32 $0x4D80  }
0x5e: {  	[hbm4b:s8+s2] =	stream.linear.scatter [tilespmem:s9], [sflag:$0x2], $0x500, $0x38;
	[tilespmem:$0xA280] =	vst v63  }
0x5f: {  	s11 =	simm.s32 $0x5280;
	s10 =	rddreg [dreg:$0x14]  }
0x60: {  	[hbm4b:s10+s2] =	stream.linear.scatter [tilespmem:s11], [sflag:$0x2], $0x500, $0x38;
	[tilespmem:$0xA280] =	vst v63  }
0x61: {  	s12 =	rddreg [dreg:$0x15];
	s13 =	simm.s32 $0x5780  }
0x62: {  	[hbm4b:s12+s2] =	stream.linear.scatter [tilespmem:s13], [sflag:$0x2], $0x500, $0x38;
	[tilespmem:$0xA280] =	vst v63  }
0x63: {  	s17 =	rddreg [dreg:$0x16];
	s16 =	simm.s32 $0x5C80  }
0x64: {  	[hbm4b:s17+s2] =	stream.linear.scatter [tilespmem:s16], [sflag:$0x2], $0x500, $0x38;
	[tilespmem:$0xA280] =	vst v63  }
0x65: {  	s18 =	rddreg [dreg:$0x17];
	s17 =	simm.s32 $0x6180  }
0x66: {  	[hbm4b:s18+s2] =	stream.linear.scatter [tilespmem:s17], [sflag:$0x2], $0x500, $0x38;
	[tilespmem:$0xA280] =	vst v63  }
0x67: {  	s19 =	rddreg [dreg:$0x18];
	s18 =	simm.s32 $0x6680  }
0x68: {  	[hbm4b:s19+s2] =	stream.linear.scatter [tilespmem:s18], [sflag:$0x2], $0x500, $0x38;
	[tilespmem:$0xA280] =	vst v63  }
0x69: {  	s20 =	rddreg [dreg:$0x19];
	s19 =	simm.s32 $0x6B80  }
0x6a: {  	[hbm4b:s20+s2] =	stream.linear.scatter [tilespmem:s19], [sflag:$0x2], $0x500, $0x38;
	[tilespmem:$0xA280] =	vst v63  }
0x6b: {  	s21 =	rddreg [dreg:$0x1a];
	s20 =	simm.s32 $0x7080  }
0x6c: {  	[hbm4b:s21+s2] =	stream.linear.scatter [tilespmem:s20], [sflag:$0x2], $0x500, $0x38;
	[tilespmem:$0xA280] =	vst v63  }
0x6d: {  	s22 =	rddreg [dreg:$0x1b];
	s21 =	simm.s32 $0x7580  }
0x6e: {  	[hbm4b:s22+s2] =	stream.linear.scatter [tilespmem:s21], [sflag:$0x2], $0x500, $0x38;
	[tilespmem:$0xA280] =	vst v63  }
0x6f: {  	s23 =	rddreg [dreg:$0x1c];
	s22 =	simm.s32 $0x7A80  }
0x70: {  	[hbm4b:s23+s2] =	stream.linear.scatter [tilespmem:s22], [sflag:$0x2], $0x500, $0x38;
	[tilespmem:$0xA280] =	vst v63  }
0x71: {  	s24 =	rddreg [dreg:$0x1d];
	s23 =	simm.s32 $0x7F80  }
0x72: {  	[hbm4b:s24+s2] =	stream.linear.scatter [tilespmem:s23], [sflag:$0x2], $0x500, $0x38;
	[tilespmem:$0xA280] =	vst v63  }
0x73: {  	s25 =	rddreg [dreg:$0x1e];
	s24 =	simm.s32 $0x8480  }
0x74: {  	[hbm4b:s25+s2] =	stream.linear.scatter [tilespmem:s24], [sflag:$0x2], $0x500, $0x38;
	[tilespmem:$0xA280] =	vst v63  }
0x75: {  	s26 =	rddreg [dreg:$0x1f];
	s25 =	simm.s32 $0x8980  }
0x76: {  	[hbm4b:s26+s2] =	stream.linear.scatter [tilespmem:s25], [sflag:$0x2], $0x500, $0x38;
	[tilespmem:$0xA280] =	vst v63  }
0x77: {  	s30 =	sld [smem:$0x7FB];
	s26 =	simm.s32 $0x8E80  }
0x78: {  	[hbm4b:s28+s2] =	stream.linear.scatter [tilespmem:s26], [sflag:$0x2], $0x500, $0x38;
	[tilespmem:$0xA280] =	vst v63  }
0x79: {  	s29 =	simm.s32 $0x9380;
	s28 =	sld [smem:$0x7FC]  }
0x7a: {  	[hbm4b:s30+s2] =	stream.linear.scatter [tilespmem:s29], [sflag:$0x2], $0x500, $0x38;
	[tilespmem:$0xA280] =	vst v63  }
0x7b: {  	s14 =	sld [smem:$0x7FD];
	s30 =	simm.s32 $0x9880  }
0x7c: {  	[hbm4b:s28+s2] =	stream.linear.scatter [tilespmem:s30], [sflag:$0x2], $0x500, $0x38;
	[tilespmem:$0xA280] =	vst v63  }
0x7d: {  	s31 =	simm.s32 $0x9D80;
	s28 =	simm.s32 $0x2  }
0x7e: {  	[hbm4b:s14+s2] =	stream.linear.scatter [tilespmem:s31], [sflag:$0x2], $0x500, $0x38;
	[tilespmem:$0xA280] =	vst v63  }
0x7f: {  	_ =	swait.ge [sflag:s28], $0x500  }
0x80: {  	[sflag:s28] =	ssyncset.done $0x0  }
0x81: {  	[sflag:s28] =	ssyncadd.s32 $0xFFFFFB00  }
0x82: {  	_ =	swait.ge [sflag:s28], $0x500  }
0x83: {  	[sflag:s28] =	ssyncset.done $0x0  }
0x84: {  	[sflag:s28] =	ssyncadd.s32 $0xFFFFFB00  }
0x85: {  	_ =	swait.ge [sflag:s28], $0x500  }
0x86: {  	[sflag:s28] =	ssyncset.done $0x0  }
0x87: {  	[sflag:s28] =	ssyncadd.s32 $0xFFFFFB00  }
0x88: {  	_ =	swait.ge [sflag:s28], $0x500  }
0x89: {  	[sflag:s28] =	ssyncset.done $0x0  }
0x8a: {  	[sflag:s28] =	ssyncadd.s32 $0xFFFFFB00  }
0x8b: {  	_ =	swait.ge [sflag:s28], $0x500  }
0x8c: {  	[sflag:s28] =	ssyncset.done $0x0  }
0x8d: {  	[sflag:s28] =	ssyncadd.s32 $0xFFFFFB00  }
0x8e: {  	_ =	swait.ge [sflag:s28], $0x500  }
0x8f: {  	[sflag:s28] =	ssyncset.done $0x0  }
0x90: {  	[sflag:s28] =	ssyncadd.s32 $0xFFFFFB00  }
0x91: {  	_ =	swait.ge [sflag:s28], $0x500  }
0x92: {  	[sflag:s28] =	ssyncset.done $0x0  }
0x93: {  	[sflag:s28] =	ssyncadd.s32 $0xFFFFFB00  }
0x94: {  	_ =	swait.ge [sflag:s28], $0x500  }
0x95: {  	[sflag:s28] =	ssyncset.done $0x0  }
0x96: {  	[sflag:s28] =	ssyncadd.s32 $0xFFFFFB00  }
0x97: {  	_ =	swait.ge [sflag:s28], $0x500  }
0x98: {  	[sflag:s28] =	ssyncset.done $0x0  }
0x99: {  	[sflag:s28] =	ssyncadd.s32 $0xFFFFFB00  }
0x9a: {  	_ =	swait.ge [sflag:s28], $0x500  }
0x9b: {  	[sflag:s28] =	ssyncset.done $0x0  }
0x9c: {  	[sflag:s28] =	ssyncadd.s32 $0xFFFFFB00  }
0x9d: {  	_ =	swait.ge [sflag:s28], $0x500  }
0x9e: {  	[sflag:s28] =	ssyncset.done $0x0  }
0x9f: {  	[sflag:s28] =	ssyncadd.s32 $0xFFFFFB00  }
0xa0: {  	_ =	swait.ge [sflag:s28], $0x500  }
0xa1: {  	[sflag:s28] =	ssyncset.done $0x0  }
0xa2: {  	[sflag:s28] =	ssyncadd.s32 $0xFFFFFB00  }
0xa3: {  	_ =	swait.ge [sflag:s28], $0x500  }
0xa4: {  	[sflag:s28] =	ssyncset.done $0x0  }
0xa5: {  	[sflag:s28] =	ssyncadd.s32 $0xFFFFFB00  }
0xa6: {  	_ =	swait.ge [sflag:s28], $0x500  }
0xa7: {  	[sflag:s28] =	ssyncset.done $0x0  }
0xa8: {  	[sflag:s28] =	ssyncadd.s32 $0xFFFFFB00  }
0xa9: {  	_ =	swait.ge [sflag:s28], $0x500  }
0xaa: {  	[sflag:s28] =	ssyncset.done $0x0  }
0xab: {  	[sflag:s28] =	ssyncadd.s32 $0xFFFFFB00  }
0xac: {  	_ =	swait.ge [sflag:s28], $0x500  }
0xad: {  	[sflag:s28] =	ssyncset.done $0x0  }
0xae: {  	[sflag:s28] =	ssyncadd.s32 $0xFFFFFB00  }
0xaf: {  	_ =	swait.ge [sflag:s28], $0x500  }
0xb0: {  	[sflag:s28] =	ssyncset.done $0x0  }
0xb1: {  	[sflag:s28] =	ssyncadd.s32 $0xFFFFFB00  }
0xb2: {  	_ =	swait.ge [sflag:s28], $0x500  }
0xb3: {  	[sflag:s28] =	ssyncset.done $0x0  }
0xb4: {  	[sflag:s28] =	ssyncadd.s32 $0xFFFFFB00  }
0xb5: {  	_ =	swait.ge [sflag:s28], $0x500  }
0xb6: {  	[sflag:s28] =	ssyncset.done $0x0  }
0xb7: {  	[sflag:s28] =	ssyncadd.s32 $0xFFFFFB00  }
0xb8: {  	_ =	swait.ge [sflag:s28], $0x500  }
0xb9: {  	[sflag:s28] =	ssyncset.done $0x0  }
0xba: {  	[sflag:s28] =	ssyncadd.s32 $0xFFFFFB00  }
0xbb: {  	_ =	swait.ge [sflag:s28], $0x500  }
0xbc: {  	[sflag:s28] =	ssyncset.done $0x0  }
0xbd: {  	[sflag:s28] =	ssyncadd.s32 $0xFFFFFB00  }
0xbe: {  	_ =	swait.ge [sflag:s28], $0x500  }
0xbf: {  	[sflag:s28] =	ssyncset.done $0x0  }
0xc0: {  	[sflag:s28] =	ssyncadd.s32 $0xFFFFFB00  }
0xc1: {  	_ =	swait.ge [sflag:s28], $0x500  }
0xc2: {  	[sflag:s28] =	ssyncset.done $0x0  }
0xc3: {  	[sflag:s28] =	ssyncadd.s32 $0xFFFFFB00  }
0xc4: {  	_ =	swait.ge [sflag:s28], $0x500  }
0xc5: {  	[sflag:s28] =	ssyncset.done $0x0  }
0xc6: {  	[sflag:s28] =	ssyncadd.s32 $0xFFFFFB00  }
0xc7: {  	_ =	swait.ge [sflag:s28], $0x500  }
0xc8: {  	[sflag:s28] =	ssyncset.done $0x0  }
0xc9: {  	[sflag:s28] =	ssyncadd.s32 $0xFFFFFB00  }
0xca: {  	_ =	swait.ge [sflag:s28], $0x500  }
0xcb: {  	[sflag:s28] =	ssyncset.done $0x0  }
0xcc: {  	[sflag:s28] =	ssyncadd.s32 $0xFFFFFB00  }
0xcd: {  	s15 =	ssub.s32 $0x2, s1;
	_ =	swait.ge [sflag:s28], $0x500  }
0xce: {  	s1 =	sshrl.u32 s15, $0x1;
	[sflag:s28] =	ssyncset.done $0x0  }
0xcf: {  	s0 =	ssub.s32 s15, s1;
	[sflag:s28] =	ssyncadd.s32 $0xFFFFFB00  }
0xd0: {  	s0 =	smax.u32 s0, $0x1;
	_ =	swait.ge [sflag:s28], $0x500  }
0xd1: {  	p0 =	sne.s32 s0, $0x1;
	[sflag:s28] =	ssyncset.done $0x0  }
.Ltmp0:
0xd2: {  	[sflag:s28] =	ssyncadd.s32 $0xFFFFFB00;
	(pc) =	sbr.rel @!p0 .LBB2_2-.Ltmp0, $4  }
0xd3: {  	_ =	swait.ge [sflag:s28], $0x500  }
0xd4: {  	[sflag:s28] =	ssyncset.done $0x0  }
0xd5: {  	[sflag:s28] =	ssyncadd.s32 $0xFFFFFB00  }
0xd6: {  	s1 =	sadd.s32 $0xFFFFFFFF, s0;
	_ =	swait.ge [sflag:s28], $0x500  }
.LBB2_1:
0xd7: {  	[sflag:s28] =	ssyncset.done $0x0  }
0xd8: {  	[sflag:s28] =	ssyncadd.s32 $0xFFFFFB00  }
0xd9: {  	_ =	swait.ge [sflag:s28], $0x500  }
0xda: {  	[sflag:s28] =	ssyncset.done $0x0  }
0xdb: {  	[sflag:s28] =	ssyncadd.s32 $0xFFFFFB00  }
0xdc: {  	_ =	swait.ge [sflag:s28], $0x500  }
0xdd: {  	[sflag:s28] =	ssyncset.done $0x0  }
0xde: {  	s0 =	rddreg [dreg:$0x4];
	[sflag:s28] =	ssyncadd.s32 $0xFFFFFB00  }
0xdf: {  	[tilespmem:s2], [sflag:$0x3] =	stream.linear.gather [hbm4b:s0+s2], $0x280, $0x38;
	[tilespmem:$0xA280] =	vst v63  }
0xe0: {  	_ =	swait.ge [sflag:s4], $0x280  }
0xe1: {  	[sflag:s4] =	ssyncset.done $0x0  }
0xe2: {  	s13 =	rddreg [dreg:$0x3];
	[sflag:s4] =	ssyncadd.s32 $0xFFFFFD80  }
0xe3: {  	[tilespmem:s5], [sflag:$0x1] =	stream.indirect.gather [hbm4b:s13+s5], $0x40, s2, s5, $0xb8;
	[tilespmem:$0xA280] =	vst v63  }
0xe4: {  	_ =	swait.ge [sflag:s6], $0xA000  }
0xe5: {  	s0 =	sld [smem:$0x7F2]  }
0xe6: {  	s7 =	sld [smem:$0x7F3]  }
0xe7: {  	s8 =	sld [smem:$0x7F4]  }
0xe8: {  	s9 =	sld [smem:$0x7F5]  }
0xe9: {  	s10 =	sld [smem:$0x7F6]  }
0xea: {  	s11 =	rddreg [dreg:$0x7]  }
0xeb: {  	s12 =	rddreg [dreg:$0x6]  }
0xec: {  	[sflag:s6] =	ssyncset.done $0x0;
	s13 =	rddreg [dreg:$0x5]  }
0xed: {  	s14 =	sld [smem:$0x7F7];
	[sflag:s6] =	ssyncadd.s32 $0xFFFF6000  }
0xee: {  	[hbm4b:s3+s2] =	stream.linear.scatter [tilespmem:s5], [sflag:$0x2], $0x500, $0x38;
	[tilespmem:$0xA280] =	vst v63  }
0xef: {  	s15 =	sld [smem:$0x7F8]  }
0xf0: {  	[hbm4b:s13+s2] =	stream.linear.scatter [tilespmem:s14], [sflag:$0x2], $0x500, $0x38;
	[tilespmem:$0xA280] =	vst v63  }
0xf1: {  	s14 =	sld [smem:$0x7F9]  }
0xf2: {  	[hbm4b:s12+s2] =	stream.linear.scatter [tilespmem:s15], [sflag:$0x2], $0x500, $0x38;
	[tilespmem:$0xA280] =	vst v63  }
0xf3: {  	s13 =	rddreg [dreg:$0xd]  }
0xf4: {  	[hbm4b:s11+s2] =	stream.linear.scatter [tilespmem:s14], [sflag:$0x2], $0x500, $0x38;
	[tilespmem:$0xA280] =	vst v63  }
0xf5: {  	s15 =	rddreg [dreg:$0x8]  }
0xf6: {  	[hbm4b:s15+s2] =	stream.linear.scatter [tilespmem:s10], [sflag:$0x2], $0x500, $0x38;
	[tilespmem:$0xA280] =	vst v63  }
0xf7: {  	s14 =	rddreg [dreg:$0x9]  }
0xf8: {  	[hbm4b:s14+s2] =	stream.linear.scatter [tilespmem:s9], [sflag:$0x2], $0x500, $0x38;
	[tilespmem:$0xA280] =	vst v63  }
0xf9: {  	s15 =	rddreg [dreg:$0xa]  }
0xfa: {  	[hbm4b:s15+s2] =	stream.linear.scatter [tilespmem:s8], [sflag:$0x2], $0x500, $0x38;
	[tilespmem:$0xA280] =	vst v63  }
0xfb: {  	s11 =	rddreg [dreg:$0xb]  }
0xfc: {  	[hbm4b:s11+s2] =	stream.linear.scatter [tilespmem:s7], [sflag:$0x2], $0x500, $0x38;
	[tilespmem:$0xA280] =	vst v63  }
0xfd: {  	s12 =	rddreg [dreg:$0xc]  }
0xfe: {  	[hbm4b:s12+s2] =	stream.linear.scatter [tilespmem:s0], [sflag:$0x2], $0x500, $0x38;
	[tilespmem:$0xA280] =	vst v63  }
0xff: {  	s14 =	rddreg [dreg:$0xe];
	s15 =	simm.s32 $0x2F80  }
0x100: {  	[hbm4b:s13+s2] =	stream.linear.scatter [tilespmem:s15], [sflag:$0x2], $0x500, $0x38;
	[tilespmem:$0xA280] =	vst v63  }
0x101: {  	s10 =	simm.s32 $0x3480;
	s9 =	rddreg [dreg:$0xf]  }
0x102: {  	[hbm4b:s14+s2] =	stream.linear.scatter [tilespmem:s10], [sflag:$0x2], $0x500, $0x38;
	[tilespmem:$0xA280] =	vst v63  }
0x103: {  	s8 =	rddreg [dreg:$0x1c];
	s12 =	simm.s32 $0x3980  }
0x104: {  	[hbm4b:s9+s2] =	stream.linear.scatter [tilespmem:s12], [sflag:$0x2], $0x500, $0x38;
	[tilespmem:$0xA280] =	vst v63  }
0x105: {  	s11 =	rddreg [dreg:$0x10];
	s14 =	simm.s32 $0x3E80  }
0x106: {  	[hbm4b:s11+s2] =	stream.linear.scatter [tilespmem:s14], [sflag:$0x2], $0x500, $0x38;
	[tilespmem:$0xA280] =	vst v63  }
0x107: {  	s13 =	rddreg [dreg:$0x11];
	s9 =	simm.s32 $0x4380  }
0x108: {  	[hbm4b:s13+s2] =	stream.linear.scatter [tilespmem:s9], [sflag:$0x2], $0x500, $0x38;
	[tilespmem:$0xA280] =	vst v63  }
0x109: {  	s15 =	rddreg [dreg:$0x12];
	s11 =	simm.s32 $0x4880  }
0x10a: {  	[hbm4b:s15+s2] =	stream.linear.scatter [tilespmem:s11], [sflag:$0x2], $0x500, $0x38;
	[tilespmem:$0xA280] =	vst v63  }
0x10b: {  	s10 =	rddreg [dreg:$0x13];
	s13 =	simm.s32 $0x4D80  }
0x10c: {  	[hbm4b:s10+s2] =	stream.linear.scatter [tilespmem:s13], [sflag:$0x2], $0x500, $0x38;
	[tilespmem:$0xA280] =	vst v63  }
0x10d: {  	s12 =	rddreg [dreg:$0x14];
	s15 =	simm.s32 $0x5280  }
0x10e: {  	[hbm4b:s12+s2] =	stream.linear.scatter [tilespmem:s15], [sflag:$0x2], $0x500, $0x38;
	[tilespmem:$0xA280] =	vst v63  }
0x10f: {  	s14 =	rddreg [dreg:$0x15];
	s10 =	simm.s32 $0x5780  }
0x110: {  	[hbm4b:s14+s2] =	stream.linear.scatter [tilespmem:s10], [sflag:$0x2], $0x500, $0x38;
	[tilespmem:$0xA280] =	vst v63  }
0x111: {  	s9 =	rddreg [dreg:$0x16]  }
0x112: {  	[hbm4b:s9+s2] =	stream.linear.scatter [tilespmem:s16], [sflag:$0x2], $0x500, $0x38;
	[tilespmem:$0xA280] =	vst v63  }
0x113: {  	s11 =	rddreg [dreg:$0x17]  }
0x114: {  	[hbm4b:s11+s2] =	stream.linear.scatter [tilespmem:s17], [sflag:$0x2], $0x500, $0x38;
	[tilespmem:$0xA280] =	vst v63  }
0x115: {  	s12 =	rddreg [dreg:$0x18]  }
0x116: {  	[hbm4b:s12+s2] =	stream.linear.scatter [tilespmem:s18], [sflag:$0x2], $0x500, $0x38;
	[tilespmem:$0xA280] =	vst v63  }
0x117: {  	s13 =	rddreg [dreg:$0x19]  }
0x118: {  	[hbm4b:s13+s2] =	stream.linear.scatter [tilespmem:s19], [sflag:$0x2], $0x500, $0x38;
	[tilespmem:$0xA280] =	vst v63  }
0x119: {  	s14 =	rddreg [dreg:$0x1a]  }
0x11a: {  	[hbm4b:s14+s2] =	stream.linear.scatter [tilespmem:s20], [sflag:$0x2], $0x500, $0x38;
	[tilespmem:$0xA280] =	vst v63  }
0x11b: {  	s15 =	rddreg [dreg:$0x1b]  }
0x11c: {  	[hbm4b:s15+s2] =	stream.linear.scatter [tilespmem:s21], [sflag:$0x2], $0x500, $0x38;
	[tilespmem:$0xA280] =	vst v63  }
0x11d: {  	s10 =	rddreg [dreg:$0x1e]  }
0x11e: {  	[hbm4b:s8+s2] =	stream.linear.scatter [tilespmem:s22], [sflag:$0x2], $0x500, $0x38;
	[tilespmem:$0xA280] =	vst v63  }
0x11f: {  	s9 =	rddreg [dreg:$0x1d]  }
0x120: {  	[hbm4b:s9+s2] =	stream.linear.scatter [tilespmem:s23], [sflag:$0x2], $0x500, $0x38;
	[tilespmem:$0xA280] =	vst v63  }
0x121: {  	s11 =	rddreg [dreg:$0x1f]  }
0x122: {  	[hbm4b:s10+s2] =	stream.linear.scatter [tilespmem:s24], [sflag:$0x2], $0x500, $0x38;
	[tilespmem:$0xA280] =	vst v63  }
0x123: {  	s12 =	sld [smem:$0x7FA]  }
0x124: {  	[hbm4b:s11+s2] =	stream.linear.scatter [tilespmem:s25], [sflag:$0x2], $0x500, $0x38;
	[tilespmem:$0xA280] =	vst v63  }
0x125: {  	s13 =	sld [smem:$0x7FB]  }
0x126: {  	[hbm4b:s12+s2] =	stream.linear.scatter [tilespmem:s26], [sflag:$0x2], $0x500, $0x38;
	[tilespmem:$0xA280] =	vst v63  }
0x127: {  	s14 =	sld [smem:$0x7FC]  }
0x128: {  	[hbm4b:s13+s2] =	stream.linear.scatter [tilespmem:s29], [sflag:$0x2], $0x500, $0x38;
	[tilespmem:$0xA280] =	vst v63  }
0x129: {  	s15 =	sld [smem:$0x7FD]  }
0x12a: {  	[hbm4b:s14+s2] =	stream.linear.scatter [tilespmem:s30], [sflag:$0x2], $0x500, $0x38;
	[tilespmem:$0xA280] =	vst v63  }
0x12b: {  	_ = 	snop  }
0x12c: {  	[hbm4b:s15+s2] =	stream.linear.scatter [tilespmem:s31], [sflag:$0x2], $0x500, $0x38;
	[tilespmem:$0xA280] =	vst v63  }
0x12d: {  	_ =	swait.ge [sflag:s28], $0x500  }
0x12e: {  	[sflag:s28] =	ssyncset.done $0x0  }
0x12f: {  	[sflag:s28] =	ssyncadd.s32 $0xFFFFFB00  }
0x130: {  	_ =	swait.ge [sflag:s28], $0x500  }
0x131: {  	[sflag:s28] =	ssyncset.done $0x0  }
0x132: {  	[sflag:s28] =	ssyncadd.s32 $0xFFFFFB00  }
0x133: {  	_ =	swait.ge [sflag:s28], $0x500  }
0x134: {  	[sflag:s28] =	ssyncset.done $0x0  }
0x135: {  	[sflag:s28] =	ssyncadd.s32 $0xFFFFFB00  }
0x136: {  	_ =	swait.ge [sflag:s28], $0x500  }
0x137: {  	[sflag:s28] =	ssyncset.done $0x0  }
0x138: {  	[sflag:s28] =	ssyncadd.s32 $0xFFFFFB00  }
0x139: {  	_ =	swait.ge [sflag:s28], $0x500  }
0x13a: {  	[sflag:s28] =	ssyncset.done $0x0  }
0x13b: {  	[sflag:s28] =	ssyncadd.s32 $0xFFFFFB00  }
0x13c: {  	_ =	swait.ge [sflag:s28], $0x500  }
0x13d: {  	[sflag:s28] =	ssyncset.done $0x0  }
0x13e: {  	[sflag:s28] =	ssyncadd.s32 $0xFFFFFB00  }
0x13f: {  	_ =	swait.ge [sflag:s28], $0x500  }
0x140: {  	[sflag:s28] =	ssyncset.done $0x0  }
0x141: {  	[sflag:s28] =	ssyncadd.s32 $0xFFFFFB00  }
0x142: {  	_ =	swait.ge [sflag:s28], $0x500  }
0x143: {  	[sflag:s28] =	ssyncset.done $0x0  }
0x144: {  	[sflag:s28] =	ssyncadd.s32 $0xFFFFFB00  }
0x145: {  	_ =	swait.ge [sflag:s28], $0x500  }
0x146: {  	[sflag:s28] =	ssyncset.done $0x0  }
0x147: {  	[sflag:s28] =	ssyncadd.s32 $0xFFFFFB00  }
0x148: {  	_ =	swait.ge [sflag:s28], $0x500  }
0x149: {  	[sflag:s28] =	ssyncset.done $0x0  }
0x14a: {  	[sflag:s28] =	ssyncadd.s32 $0xFFFFFB00  }
0x14b: {  	_ =	swait.ge [sflag:s28], $0x500  }
0x14c: {  	[sflag:s28] =	ssyncset.done $0x0  }
0x14d: {  	[sflag:s28] =	ssyncadd.s32 $0xFFFFFB00  }
0x14e: {  	_ =	swait.ge [sflag:s28], $0x500  }
0x14f: {  	[sflag:s28] =	ssyncset.done $0x0  }
0x150: {  	[sflag:s28] =	ssyncadd.s32 $0xFFFFFB00  }
0x151: {  	_ =	swait.ge [sflag:s28], $0x500  }
0x152: {  	[sflag:s28] =	ssyncset.done $0x0  }
0x153: {  	[sflag:s28] =	ssyncadd.s32 $0xFFFFFB00  }
0x154: {  	_ =	swait.ge [sflag:s28], $0x500  }
0x155: {  	[sflag:s28] =	ssyncset.done $0x0  }
0x156: {  	[sflag:s28] =	ssyncadd.s32 $0xFFFFFB00  }
0x157: {  	_ =	swait.ge [sflag:s28], $0x500  }
0x158: {  	[sflag:s28] =	ssyncset.done $0x0  }
0x159: {  	[sflag:s28] =	ssyncadd.s32 $0xFFFFFB00  }
0x15a: {  	_ =	swait.ge [sflag:s28], $0x500  }
0x15b: {  	[sflag:s28] =	ssyncset.done $0x0  }
0x15c: {  	[sflag:s28] =	ssyncadd.s32 $0xFFFFFB00  }
0x15d: {  	_ =	swait.ge [sflag:s28], $0x500  }
0x15e: {  	[sflag:s28] =	ssyncset.done $0x0  }
0x15f: {  	[sflag:s28] =	ssyncadd.s32 $0xFFFFFB00  }
0x160: {  	_ =	swait.ge [sflag:s28], $0x500  }
0x161: {  	[sflag:s28] =	ssyncset.done $0x0  }
0x162: {  	[sflag:s28] =	ssyncadd.s32 $0xFFFFFB00  }
0x163: {  	_ =	swait.ge [sflag:s28], $0x500  }
0x164: {  	[sflag:s28] =	ssyncset.done $0x0  }
0x165: {  	[sflag:s28] =	ssyncadd.s32 $0xFFFFFB00  }
0x166: {  	_ =	swait.ge [sflag:s28], $0x500  }
0x167: {  	[sflag:s28] =	ssyncset.done $0x0  }
0x168: {  	[sflag:s28] =	ssyncadd.s32 $0xFFFFFB00  }
0x169: {  	_ =	swait.ge [sflag:s28], $0x500  }
0x16a: {  	[sflag:s28] =	ssyncset.done $0x0  }
0x16b: {  	[sflag:s28] =	ssyncadd.s32 $0xFFFFFB00  }
0x16c: {  	_ =	swait.ge [sflag:s28], $0x500  }
0x16d: {  	[sflag:s28] =	ssyncset.done $0x0  }
0x16e: {  	[sflag:s28] =	ssyncadd.s32 $0xFFFFFB00  }
0x16f: {  	_ =	swait.ge [sflag:s28], $0x500  }
0x170: {  	[sflag:s28] =	ssyncset.done $0x0  }
0x171: {  	[sflag:s28] =	ssyncadd.s32 $0xFFFFFB00  }
0x172: {  	_ =	swait.ge [sflag:s28], $0x500  }
0x173: {  	[sflag:s28] =	ssyncset.done $0x0  }
0x174: {  	[sflag:s28] =	ssyncadd.s32 $0xFFFFFB00  }
0x175: {  	_ =	swait.ge [sflag:s28], $0x500  }
0x176: {  	[sflag:s28] =	ssyncset.done $0x0  }
0x177: {  	[sflag:s28] =	ssyncadd.s32 $0xFFFFFB00  }
0x178: {  	_ =	swait.ge [sflag:s28], $0x500  }
0x179: {  	[sflag:s28] =	ssyncset.done $0x0  }
0x17a: {  	[sflag:s28] =	ssyncadd.s32 $0xFFFFFB00  }
0x17b: {  	_ =	swait.ge [sflag:s28], $0x500  }
0x17c: {  	[sflag:s28] =	ssyncset.done $0x0  }
0x17d: {  	[sflag:s28] =	ssyncadd.s32 $0xFFFFFB00  }
0x17e: {  	_ =	swait.ge [sflag:s28], $0x500  }
0x17f: {  	p0 =	sne.s32 s1, $0x1;
	[sflag:s28] =	ssyncset.done $0x0  }
.Ltmp1:
0x180: {  	[sflag:s28] =	ssyncadd.s32 $0xFFFFFB00;
	(pc) =	sbr.rel @p0 .LBB2_1-.Ltmp1, $4  }
0x181: {  	_ =	swait.ge [sflag:s28], $0x500  }
0x182: {  	[sflag:s28] =	ssyncset.done $0x0  }
0x183: {  	[sflag:s28] =	ssyncadd.s32 $0xFFFFFB00  }
0x184: {  	s1 =	sadd.s32 $0xFFFFFFFF, s1;
	_ =	swait.ge [sflag:s28], $0x500  }
.LBB2_2:
0x185: {  	[sflag:s28] =	ssyncset.done $0x0  }
0x186: {  	[sflag:s28] =	ssyncadd.s32 $0xFFFFFB00  }
0x187: {  	_ =	swait.ge [sflag:s28], $0x500  }
0x188: {  	[sflag:s28] =	ssyncset.done $0x0  }
0x189: {  	[sflag:s28] =	ssyncadd.s32 $0xFFFFFB00  }
0x18a: {  	_ =	swait.ge [sflag:s28], $0x500  }
0x18b: {  	[sflag:s28] =	ssyncset.done $0x0  }
0x18c: {  	[sflag:s28] =	ssyncadd.s32 $0xFFFFFB00  }
0x18d: {  	_ =	sfence.sel $0x180000  }
0x18e: {  	[bflag:$0x0] =	sbarrier.arrive $0xFFFF  }
0x18f: {  	_ =	strace $0x90000047  }
0x190: {  	s0 =	stileid.u32;
	[bflag:$0x2] =	sbarrier.arrive $0xFFFF  }
0x191: {  	p0 =	sne.s32 s0, $0x0;
	s0 =	rddreg [dreg:$0x2]  }
0x192: {  	s0 =	sadd.s32 @!p0 $0x100000, s0  }
0x193: {  	[sflag:s0] =	ssyncadd.tile.s32 @!p0 $0x1;
	_ =	shalt  }
.Lfunc_end2:
_tile_overlayer_lowered:
.L_overlay_start_2:
0x194: {  	(tag) =	ssettag $0x2  }
0x195: {  	s0 =	rddreg [dreg:$0x0];
	s2 =	stileid.u32  }
0x196: {  	s1 =	rddreg [dreg:$0x1];
	p0 =	sne.s32 s2, $0x0  }
0x197: {  	s3 =	rddreg [dreg:$0x2];
	[bflag:$0x3] =	sbarrier.arrive $0xFFFF;
	s2 =	simm.s32 @!p0 $0x1C03  }
0x198: {  	[timem:s3], [sflag:s2] =	dma.local @!p0 [hbm:s0], s1  }
0x199: {  	s0 =	simm.s32 @!p0 $0x3  }
0x19a: {  	_ =	swait.ge @!p0 [sflag:s0], s1  }
0x19b: {  	s1 =	ssub.s32 @!p0 $0x0, s1;
	[sflag:s0] =	ssyncset.done @!p0 $0x0  }
0x19c: {  	[sflag:s0] =	ssyncadd.s32 @!p0 s1  }
0x19d: {  	[bflag:$0x3] =	sbarrier.arrive $0xFFFF  }
0x19e: {  	_ =	shalt  }

</sc_bundles>
